<compile_context>
chip_gen: v7x
topology: tpu7x:2x2x1
jax: 0.10.2.dev20260603
libtpu: 0.0.44.dev20260713+nightly
codegen_flags: <defaults>
</compile_context>

<pallas_src>
import functools

import jax
import jax.numpy as jnp
from jax import lax
from jax.experimental import pallas as pl
from jax.experimental.pallas import tpu as pltpu
from jax.experimental.pallas import tpu_sc as plsc

NBINS = 256
H = 512
W = 512
C = 3
B = 32
NW = 32
NLANE = 16
PIX = H * W
SC_ROWS = 64


def _stage_a(x_ref, wg_ref, gray_ref, idx_ref, stats_ref):
    xi = x_ref[0]
    gray = jnp.dot(xi.astype(jnp.bfloat16), wg_ref[...],
                   preferred_element_type=jnp.float32)
    gray_ref[0] = gray
    gmin = jnp.min(gray)
    gmax = jnp.max(gray)
    scale = jnp.max(
        NBINS / jnp.maximum(jnp.full((8, 128), gmax - gmin, jnp.float32), 1e-12))
    idx = jnp.clip(((gray - gmin) * scale).astype(jnp.int32), 0, NBINS - 1)
    lane = jax.lax.broadcasted_iota(jnp.int32, (H, W), 1) & (NLANE - 1)
    idx_ref[0] = idx + (lane << 8)
    li = jax.lax.broadcasted_iota(jnp.int32, (8, 128), 1)
    stats_ref[0] = jnp.where(li == 0, gmin, jnp.where(li == 1, gmax, 0.0))


def _sc_hist(idx_hbm, out_hbm, buf0, buf1, hist, sem0, sem1):
    cid = lax.axis_index("c")
    sid = lax.axis_index("s")
    w = sid * 2 + cid
    zero = jnp.zeros((NLANE,), jnp.float32)
    ones = jnp.full((NLANE,), 1.0, jnp.float32)

    def zstep(i, _):
        hist[pl.ds(i * NLANE, NLANE)] = zero
        return 0

    lax.fori_loop(0, (NLANE * NBINS) // NLANE, zstep, 0)

    bufs = (buf0, buf1)
    sems = (sem0, sem1)
    nchunk = H // SC_ROWS
    copies = []
    for ci in range(nchunk):
        copies.append(pltpu.make_async_copy(
            idx_hbm.at[w, pl.ds(ci * SC_ROWS, SC_ROWS), :],
            bufs[ci % 2], sems[ci % 2]))
    copies[0].start()
    for ci in range(nchunk):
        if ci + 1 < nchunk:
            copies[ci + 1].start()
        copies[ci].wait()
        buf = bufs[ci % 2]

        def scat(i, _):
            for u in range(4):
                k = i * 4 + u
                r = k >> 5
                c = k & 31
                v = buf[r, pl.ds(c * NLANE, NLANE)]
                plsc.addupdate_scatter(hist, [v], ones)
            return 0

        lax.fori_loop(0, (SC_ROWS * W) // (NLANE * 4), scat, 0)
    pltpu.sync_copy(hist, out_hbm.at[w])


def _stage_c1(h_ref, stats_ref, thr_ref):
    h = h_ref[...]
    hist = jnp.zeros((B, NBINS), jnp.float32)
    for l in range(NLANE):
        hist = hist + h[:, l * NBINS:(l + 1) * NBINS]

    stats = stats_ref[...][:, 0, :]
    gmin = stats[:, 0:1]
    gmax = stats[:, 1:2]
    scale = NBINS / jnp.maximum(gmax - gmin, 1e-12)

    iint = jax.lax.broadcasted_iota(jnp.int32, (1, NBINS), 1)
    ii = iint.astype(jnp.float32)
    centers = gmin + (ii + 0.5) / scale
    wc = hist * centers

    li = jax.lax.broadcasted_iota(jnp.int32, (NBINS, NBINS), 0)
    lj = jax.lax.broadcasted_iota(jnp.int32, (NBINS, NBINS), 1)
    lt = (li <= lj).astype(jnp.float32)
    w1 = jnp.dot(hist, lt, preferred_element_type=jnp.float32,
                 precision=jax.lax.Precision.HIGHEST)

    def c1_step(j, carry):
        acc, acc2, c1v = carry
        wcj = jnp.sum(jnp.where(iint == j, wc, 0.0), axis=1, keepdims=True)
        in_lo = j < (NBINS // 2)
        acc = jnp.where(in_lo, acc + wcj, acc)
        acc2 = jnp.where(in_lo, acc2, acc2 + wcj)
        c1j = jnp.where(in_lo, acc, acc2 + acc)
        c1v = c1v + jnp.where(iint == j, c1j, 0.0)
        return acc, acc2, c1v

    zcol = jnp.zeros((B, 1), jnp.float32)
    _, _, c1 = lax.fori_loop(
        0, NBINS, c1_step, (zcol, zcol, jnp.zeros((B, NBINS), jnp.float32)))

    total_w = jnp.sum(jnp.where(iint == NBINS - 1, w1, 0.0), axis=1, keepdims=True)
    total_c = jnp.sum(jnp.where(iint == NBINS - 1, c1, 0.0), axis=1, keepdims=True)
    w2p = total_w - w1
    m1 = c1 / jnp.maximum(w1, 1e-12)
    m2 = (total_c - c1) / jnp.maximum(w2p, 1e-12)
    var12 = w1 * w2p * (m1 - m2) ** 2
    var12 = jnp.where(iint < NBINS - 1, var12, -jnp.inf)
    vmax = jnp.max(var12, axis=1, keepdims=True)
    pick = jnp.min(jnp.where(var12 == vmax, ii, jnp.float32(NBINS)),
                   axis=1, keepdims=True)
    thr = jnp.sum(jnp.where(ii == pick, centers, 0.0), axis=1, keepdims=True)
    thr_ref[...] = jnp.broadcast_to(thr[:, :, None], (B, 8, 128))


def _stage_c2(gray_ref, thr_ref, wr_ref, o_ref):
    thr = jnp.max(thr_ref[0])
    binary = jnp.where(gray_ref[0] > thr, 255.0, 0.0)
    o_ref[0] = jnp.dot(binary, wr_ref[...], preferred_element_type=jnp.float32)


@jax.jit
def kernel(inputs):
    x = inputs.reshape(B, H, W * C)
    wvec = jnp.array([0.2989, 0.587, 0.114], jnp.float32)
    rows = jnp.arange(W * C)
    cols = jnp.arange(W)
    wg = jnp.where((rows[:, None] // C) == cols[None, :],
                   wvec[rows % C][:, None], 0.0).astype(jnp.bfloat16)
    wr = ((rows[None, :] // C) == cols[:, None]).astype(jnp.float32)

    gray, idxsc, stats = pl.pallas_call(
        _stage_a,
        grid=(B,),
        in_specs=[
            pl.BlockSpec((1, H, W * C), lambda b: (b, 0, 0)),
            pl.BlockSpec((W * C, W), lambda b: (0, 0)),
        ],
        out_specs=[
            pl.BlockSpec((1, H, W), lambda b: (b, 0, 0)),
            pl.BlockSpec((1, H, W), lambda b: (b, 0, 0)),
            pl.BlockSpec((1, 8, 128), lambda b: (b, 0, 0)),
        ],
        out_shape=[
            jax.ShapeDtypeStruct((B, H, W), jnp.float32),
            jax.ShapeDtypeStruct((B, H, W), jnp.int32),
            jax.ShapeDtypeStruct((B, 8, 128), jnp.float32),
        ],
    )(x, wg)

    hist16 = pl.kernel(
        _sc_hist,
        out_type=jax.ShapeDtypeStruct((B, NLANE * NBINS), jnp.float32),
        mesh=plsc.VectorSubcoreMesh(core_axis_name="c", subcore_axis_name="s"),
        compiler_params=pltpu.CompilerParams(needs_layout_passes=False),
        scratch_types=[
            pltpu.VMEM((SC_ROWS, W), jnp.int32),
            pltpu.VMEM((SC_ROWS, W), jnp.int32),
            pltpu.VMEM((NLANE * NBINS,), jnp.float32),
            pltpu.SemaphoreType.DMA,
            pltpu.SemaphoreType.DMA,
        ],
    )(idxsc)

    thr = pl.pallas_call(
        _stage_c1,
        grid=(1,),
        in_specs=[
            pl.BlockSpec((B, NLANE * NBINS), lambda b: (0, 0)),
            pl.BlockSpec((B, 8, 128), lambda b: (0, 0, 0)),
        ],
        out_specs=pl.BlockSpec((B, 8, 128), lambda b: (0, 0, 0)),
        out_shape=jax.ShapeDtypeStruct((B, 8, 128), jnp.float32),
    )(hist16, stats)

    out = pl.pallas_call(
        _stage_c2,
        grid=(B,),
        in_specs=[
            pl.BlockSpec((1, H, W), lambda b: (b, 0, 0)),
            pl.BlockSpec((1, 8, 128), lambda b: (b, 0, 0)),
            pl.BlockSpec((W, W * C), lambda b: (0, 0)),
        ],
        out_specs=pl.BlockSpec((1, H, W * C), lambda b: (b, 0, 0)),
        out_shape=jax.ShapeDtypeStruct((B, H, W * C), jnp.float32),
    )(gray, thr, wr)
    return out.reshape(B, H, W, C)

# --- scband reference (transcript-rebuilt; emitter-appended) ---
"""Pipeline reference for scband-otsu-threshold-layer-8873402433666 (READ-ONLY COPY).

The authoritative reference and input builder live on the scoring server;
editing this copy changes nothing except your own understanding.
"""

import jax, jax.numpy as jnp
import numpy as np

NUM_BINS = 256


def setup_inputs(seed: int = 0) -> dict:
    key = jax.random.key(seed)
    inputs = jax.random.uniform(key, (32, 512, 512, 3), dtype=jnp.float32)
    return {"inputs": inputs}


def reference(inputs):
    # tf.image.rgb_to_grayscale: ITU-R 601 luma weights
    w = jnp.array([0.2989, 0.587, 0.114], dtype=inputs.dtype)
    gray = jnp.tensordot(inputs, w, axes=[[-1], [0]])  # [B, H, W]
    B = gray.shape[0]
    flat = gray.reshape(B, -1)

    # skimage-style threshold_otsu: 256-bin histogram over [min, max] per image
    gmin = jnp.min(flat, axis=1, keepdims=True)  # [B,1]
    gmax = jnp.max(flat, axis=1, keepdims=True)  # [B,1]
    scale = NUM_BINS / jnp.maximum(gmax - gmin, 1e-12)  # [B,1]
    bin_idx = jnp.clip(((flat - gmin) * scale).astype(jnp.int32), 0, NUM_BINS - 1)  # [B, HW]
    batch_idx = jnp.broadcast_to(jnp.arange(B)[:, None], bin_idx.shape)
    hist = jnp.zeros((B, NUM_BINS), jnp.float32).at[
        batch_idx.reshape(-1), bin_idx.reshape(-1)
    ].add(1.0)  # scatter-add histogram

    # per-image bin centers: gmin + (i + 0.5) / scale
    centers = gmin + (jnp.arange(NUM_BINS, dtype=jnp.float32)[None, :] + 0.5) / scale  # [B, 256]

    wc = hist * centers
    w1 = jnp.cumsum(hist, axis=1)
    c1 = jnp.cumsum(wc, axis=1)
    total_w = w1[:, -1:]
    total_c = c1[:, -1:]

    w1m = w1[:, :-1]
    c1m = c1[:, :-1]
    w2p = total_w - w1m  # weight2 shifted by one (skimage weight2[1:])
    m1 = c1m / jnp.maximum(w1m, 1e-12)
    m2 = (total_c - c1m) / jnp.maximum(w2p, 1e-12)
    var12 = w1m * w2p * (m1 - m2) ** 2  # between-class variance
    idx = jnp.argmax(var12, axis=1)  # [B]
    thr = jnp.take_along_axis(centers, idx[:, None], axis=1)  # [B,1] bin_centers[:-1][argmax]

    # tf.where(gray > threshold, 255, 0), then grayscale_to_rgb
    binary = jnp.where(gray > thr.reshape(B, 1, 1), 255.0, 0.0)  # [B,H,W]
    out = jnp.repeat(binary[..., None], 3, axis=-1)  # [B,H,W,3]
    return out

if __name__ == "__main__":
    import jax
    _d = setup_inputs()
    print(jax.jit(kernel)(*tuple(_d.values())))

</pallas_src>

<mosaic_0001>
#map = affine_map<(d0, d1) -> (0, 0, 0)>
#map1 = affine_map<(d0, d1) -> (0, 0)>
module attributes {stable_mosaic.version = 14 : i64} {
  func.func @_sc_hist(%arg0: i32, %arg1: i32, %arg2: memref<32x512x512xi32, #tpu.memory_space<hbm>>, %arg3: memref<32x4096xf32, #tpu.memory_space<hbm>>, %arg4: memref<64x512xi32, #tpu.memory_space<vmem>>, %arg5: memref<64x512xi32, #tpu.memory_space<vmem>>, %arg6: memref<4096xf32, #tpu.memory_space<vmem>>, %arg7: memref<!tpu.dma_semaphore, #tpu.memory_space<semaphore_mem>>, %arg8: memref<!tpu.dma_semaphore, #tpu.memory_space<semaphore_mem>>) attributes {dimension_semantics = [#tpu.dimension_semantics<core_parallel>, #tpu.dimension_semantics<subcore_parallel>], iteration_bounds = array<i64: 2, 16>, scalar_prefetch = 0 : i64, scratch_operands = 5 : i64, tpu.core_type = #tpu.core_type<sc_vector_subcore>, window_params = [{transform_indices = #map}, {transform_indices = #map1}]} {
    %mul3A = arith.constant 2 : i32
    %mul3A_0 = arith.muli %arg1, %mul3A : i32
    %add3A = arith.addi %mul3A_0, %arg0 : i32
    %broadcast_in_dim3A = arith.constant 0.000000e+00 : f32
    %broadcast_in_dim3A_1 = vector.broadcast %broadcast_in_dim3A : f32 to vector<16xf32>
    %broadcast_in_dim3A_2 = arith.constant 1.000000e+00 : f32
    %broadcast_in_dim3A_3 = vector.broadcast %broadcast_in_dim3A_2 : f32 to vector<16xf32>
    %scan3A = arith.constant 0 : i32
    %scan3A_4 = arith.constant 0 : i32
    %scan3A_5 = arith.constant 256 : i32
    %scan3A_6 = arith.addi %scan3A_4, %scan3A_5 : i32
    %scan3A_7 = arith.constant 1 : i32
    %scan3A_8 = scf.for %scan3A_192 = %scan3A_4 to %scan3A_6 step %scan3A_7 iter_args(%scan3A_193 = %scan3A) -> (i32)  : i32 {
      %mul3A_194 = arith.constant 16 : i32
      %mul3A_195 = arith.muli %scan3A_192, %mul3A_194 : i32
      %swap3A = arith.index_cast %mul3A_195 : i32 to index
      %swap3A_196 = tpu.vector_load %arg6[%swap3A] {strides = array<i32>} : memref<4096xf32, #tpu.memory_space<vmem>>, vector<16xf32>,
      tpu.vector_store %arg6[%swap3A], %broadcast_in_dim3A_1 {strides = array<i32>} : memref<4096xf32, #tpu.memory_space<vmem>>, vector<16xf32>,
      %scan3A_197 = arith.constant 0 : i32
      scf.yield %scan3A_197 : i32
    }
    %scan3A_9 = arith.constant 256 : i32
    %dma_start3A = arith.constant 0 : i32
    %dma_start3A_10 = arith.constant 0 : i32
    %dma_start3A_11 = tpu.memref_slice %arg2[%add3A, %dma_start3A, %dma_start3A_10] : memref<32x512x512xi32, #tpu.memory_space<hbm>> -> memref<1x64x512xi32, #tpu.memory_space<hbm>>
    %dma_start3A_12 = tpu.memref_squeeze %dma_start3A_11 : memref<1x64x512xi32, #tpu.memory_space<hbm>> -> memref<64x512xi32, #tpu.memory_space<hbm>>
    %dma_start3A_13 = arith.constant 0 : i32
    %dma_start3A_14 = arith.constant 0 : i32
    %dma_start3A_15 = tpu.memref_slice %arg2[%add3A, %dma_start3A_13, %dma_start3A_14] : memref<32x512x512xi32, #tpu.memory_space<hbm>> -> memref<1x64x512xi32, #tpu.memory_space<hbm>>
    %dma_start3A_16 = tpu.memref_squeeze %dma_start3A_15 : memref<1x64x512xi32, #tpu.memory_space<hbm>> -> memref<64x512xi32, #tpu.memory_space<hbm>>
    tpu.enqueue_dma source(%dma_start3A_16 : memref<64x512xi32, #tpu.memory_space<hbm>>) target(%arg4 : memref<64x512xi32, #tpu.memory_space<vmem>>) target_semaphore(%arg7 : memref<!tpu.dma_semaphore, #tpu.memory_space<semaphore_mem>>)
    %dma_start3A_17 = arith.constant 64 : i32
    %dma_start3A_18 = arith.constant 0 : i32
    %dma_start3A_19 = tpu.memref_slice %arg2[%add3A, %dma_start3A_17, %dma_start3A_18] : memref<32x512x512xi32, #tpu.memory_space<hbm>> -> memref<1x64x512xi32, #tpu.memory_space<hbm>>
    %dma_start3A_20 = tpu.memref_squeeze %dma_start3A_19 : memref<1x64x512xi32, #tpu.memory_space<hbm>> -> memref<64x512xi32, #tpu.memory_space<hbm>>
    %dma_start3A_21 = arith.constant 64 : i32
    %dma_start3A_22 = arith.constant 0 : i32
    %dma_start3A_23 = tpu.memref_slice %arg2[%add3A, %dma_start3A_21, %dma_start3A_22] : memref<32x512x512xi32, #tpu.memory_space<hbm>> -> memref<1x64x512xi32, #tpu.memory_space<hbm>>
    %dma_start3A_24 = tpu.memref_squeeze %dma_start3A_23 : memref<1x64x512xi32, #tpu.memory_space<hbm>> -> memref<64x512xi32, #tpu.memory_space<hbm>>
    tpu.enqueue_dma source(%dma_start3A_24 : memref<64x512xi32, #tpu.memory_space<hbm>>) target(%arg5 : memref<64x512xi32, #tpu.memory_space<vmem>>) target_semaphore(%arg8 : memref<!tpu.dma_semaphore, #tpu.memory_space<semaphore_mem>>)
    %dma_wait3A = arith.constant 0 : i32
    %dma_wait3A_25 = arith.constant 0 : i32
    %dma_wait3A_26 = tpu.memref_slice %arg2[%add3A, %dma_wait3A, %dma_wait3A_25] : memref<32x512x512xi32, #tpu.memory_space<hbm>> -> memref<1x64x512xi32, #tpu.memory_space<hbm>>
    %dma_wait3A_27 = tpu.memref_squeeze %dma_wait3A_26 : memref<1x64x512xi32, #tpu.memory_space<hbm>> -> memref<64x512xi32, #tpu.memory_space<hbm>>
    %dma_wait3A_28 = arith.constant 0 : i32
    %dma_wait3A_29 = arith.constant 0 : i32
    %dma_wait3A_30 = tpu.memref_slice %arg2[%add3A, %dma_wait3A_28, %dma_wait3A_29] : memref<32x512x512xi32, #tpu.memory_space<hbm>> -> memref<1x64x512xi32, #tpu.memory_space<hbm>>
    %dma_wait3A_31 = tpu.memref_squeeze %dma_wait3A_30 : memref<1x64x512xi32, #tpu.memory_space<hbm>> -> memref<64x512xi32, #tpu.memory_space<hbm>>
    tpu.wait_dma2 semaphore(%arg7 : memref<!tpu.dma_semaphore, #tpu.memory_space<semaphore_mem>>) src(%dma_wait3A_31 : memref<64x512xi32, #tpu.memory_space<hbm>>) dst(%arg4 : memref<64x512xi32, #tpu.memory_space<vmem>>)
    %scan3A_32 = arith.constant 0 : i32
    %scan3A_33 = arith.constant 0 : i32
    %scan3A_34 = arith.constant 512 : i32
    %scan3A_35 = arith.addi %scan3A_33, %scan3A_34 : i32
    %scan3A_36 = arith.constant 1 : i32
    %scan3A_37 = scf.for %scan3A_192 = %scan3A_33 to %scan3A_35 step %scan3A_36 iter_args(%scan3A_193 = %scan3A_32) -> (i32)  : i32 {
      %mul3A_194 = arith.constant 4 : i32
      %mul3A_195 = arith.muli %scan3A_192, %mul3A_194 : i32
      %add3A_196 = arith.constant 0 : i32
      %add3A_197 = arith.addi %mul3A_195, %add3A_196 : i32
      %shift_right_arithmetic3A = arith.constant 5 : i32
      %shift_right_arithmetic3A_198 = arith.shrsi %add3A_197, %shift_right_arithmetic3A : i32
      %and3A = arith.constant 31 : i32
      %and3A_199 = arith.andi %add3A_197, %and3A : i32
      %mul3A_200 = arith.constant 16 : i32
      %mul3A_201 = arith.muli %and3A_199, %mul3A_200 : i32
      %get3A = arith.index_cast %shift_right_arithmetic3A_198 : i32 to index
      %get3A_202 = arith.index_cast %mul3A_201 : i32 to index
      %get3A_203 = tpu.vector_load %arg4[%get3A, %get3A_202] {strides = array<i32>} : memref<64x512xi32, #tpu.memory_space<vmem>>, vector<16xi32>,
      tpu.vector_store_idx %arg6[%get3A_203], %broadcast_in_dim3A_3 {add = true} : memref<4096xf32, #tpu.memory_space<vmem>>[vector<16xi32>], vector<16xf32>,
      %mul3A_204 = arith.constant 4 : i32
      %mul3A_205 = arith.muli %scan3A_192, %mul3A_204 : i32
      %add3A_206 = arith.constant 1 : i32
      %add3A_207 = arith.addi %mul3A_205, %add3A_206 : i32
      %shift_right_arithmetic3A_208 = arith.constant 5 : i32
      %shift_right_arithmetic3A_209 = arith.shrsi %add3A_207, %shift_right_arithmetic3A_208 : i32
      %and3A_210 = arith.constant 31 : i32
      %and3A_211 = arith.andi %add3A_207, %and3A_210 : i32
      %mul3A_212 = arith.constant 16 : i32
      %mul3A_213 = arith.muli %and3A_211, %mul3A_212 : i32
      %get3A_214 = arith.index_cast %shift_right_arithmetic3A_209 : i32 to index
      %get3A_215 = arith.index_cast %mul3A_213 : i32 to index
      %get3A_216 = tpu.vector_load %arg4[%get3A_214, %get3A_215] {strides = array<i32>} : memref<64x512xi32, #tpu.memory_space<vmem>>, vector<16xi32>,
      tpu.vector_store_idx %arg6[%get3A_216], %broadcast_in_dim3A_3 {add = true} : memref<4096xf32, #tpu.memory_space<vmem>>[vector<16xi32>], vector<16xf32>,
      %mul3A_217 = arith.constant 4 : i32
      %mul3A_218 = arith.muli %scan3A_192, %mul3A_217 : i32
      %add3A_219 = arith.constant 2 : i32
      %add3A_220 = arith.addi %mul3A_218, %add3A_219 : i32
      %shift_right_arithmetic3A_221 = arith.constant 5 : i32
      %shift_right_arithmetic3A_222 = arith.shrsi %add3A_220, %shift_right_arithmetic3A_221 : i32
      %and3A_223 = arith.constant 31 : i32
      %and3A_224 = arith.andi %add3A_220, %and3A_223 : i32
      %mul3A_225 = arith.constant 16 : i32
      %mul3A_226 = arith.muli %and3A_224, %mul3A_225 : i32
      %get3A_227 = arith.index_cast %shift_right_arithmetic3A_222 : i32 to index
      %get3A_228 = arith.index_cast %mul3A_226 : i32 to index
      %get3A_229 = tpu.vector_load %arg4[%get3A_227, %get3A_228] {strides = array<i32>} : memref<64x512xi32, #tpu.memory_space<vmem>>, vector<16xi32>,
      tpu.vector_store_idx %arg6[%get3A_229], %broadcast_in_dim3A_3 {add = true} : memref<4096xf32, #tpu.memory_space<vmem>>[vector<16xi32>], vector<16xf32>,
      %mul3A_230 = arith.constant 4 : i32
      %mul3A_231 = arith.muli %scan3A_192, %mul3A_230 : i32
      %add3A_232 = arith.constant 3 : i32
      %add3A_233 = arith.addi %mul3A_231, %add3A_232 : i32
      %shift_right_arithmetic3A_234 = arith.constant 5 : i32
      %shift_right_arithmetic3A_235 = arith.shrsi %add3A_233, %shift_right_arithmetic3A_234 : i32
      %and3A_236 = arith.constant 31 : i32
      %and3A_237 = arith.andi %add3A_233, %and3A_236 : i32
      %mul3A_238 = arith.constant 16 : i32
      %mul3A_239 = arith.muli %and3A_237, %mul3A_238 : i32
      %get3A_240 = arith.index_cast %shift_right_arithmetic3A_235 : i32 to index
      %get3A_241 = arith.index_cast %mul3A_239 : i32 to index
      %get3A_242 = tpu.vector_load %arg4[%get3A_240, %get3A_241] {strides = array<i32>} : memref<64x512xi32, #tpu.memory_space<vmem>>, vector<16xi32>,
      tpu.vector_store_idx %arg6[%get3A_242], %broadcast_in_dim3A_3 {add = true} : memref<4096xf32, #tpu.memory_space<vmem>>[vector<16xi32>], vector<16xf32>,
      %scan3A_243 = arith.constant 0 : i32
      scf.yield %scan3A_243 : i32
    }
    %scan3A_38 = arith.constant 512 : i32
    %dma_start3A_39 = arith.constant 128 : i32
    %dma_start3A_40 = arith.constant 0 : i32
    %dma_start3A_41 = tpu.memref_slice %arg2[%add3A, %dma_start3A_39, %dma_start3A_40] : memref<32x512x512xi32, #tpu.memory_space<hbm>> -> memref<1x64x512xi32, #tpu.memory_space<hbm>>
    %dma_start3A_42 = tpu.memref_squeeze %dma_start3A_41 : memref<1x64x512xi32, #tpu.memory_space<hbm>> -> memref<64x512xi32, #tpu.memory_space<hbm>>
    %dma_start3A_43 = arith.constant 128 : i32
    %dma_start3A_44 = arith.constant 0 : i32
    %dma_start3A_45 = tpu.memref_slice %arg2[%add3A, %dma_start3A_43, %dma_start3A_44] : memref<32x512x512xi32, #tpu.memory_space<hbm>> -> memref<1x64x512xi32, #tpu.memory_space<hbm>>
    %dma_start3A_46 = tpu.memref_squeeze %dma_start3A_45 : memref<1x64x512xi32, #tpu.memory_space<hbm>> -> memref<64x512xi32, #tpu.memory_space<hbm>>
    tpu.enqueue_dma source(%dma_start3A_46 : memref<64x512xi32, #tpu.memory_space<hbm>>) target(%arg4 : memref<64x512xi32, #tpu.memory_space<vmem>>) target_semaphore(%arg7 : memref<!tpu.dma_semaphore, #tpu.memory_space<semaphore_mem>>)
    %dma_wait3A_47 = arith.constant 64 : i32
    %dma_wait3A_48 = arith.constant 0 : i32
    %dma_wait3A_49 = tpu.memref_slice %arg2[%add3A, %dma_wait3A_47, %dma_wait3A_48] : memref<32x512x512xi32, #tpu.memory_space<hbm>> -> memref<1x64x512xi32, #tpu.memory_space<hbm>>
    %dma_wait3A_50 = tpu.memref_squeeze %dma_wait3A_49 : memref<1x64x512xi32, #tpu.memory_space<hbm>> -> memref<64x512xi32, #tpu.memory_space<hbm>>
    %dma_wait3A_51 = arith.constant 64 : i32
    %dma_wait3A_52 = arith.constant 0 : i32
    %dma_wait3A_53 = tpu.memref_slice %arg2[%add3A, %dma_wait3A_51, %dma_wait3A_52] : memref<32x512x512xi32, #tpu.memory_space<hbm>> -> memref<1x64x512xi32, #tpu.memory_space<hbm>>
    %dma_wait3A_54 = tpu.memref_squeeze %dma_wait3A_53 : memref<1x64x512xi32, #tpu.memory_space<hbm>> -> memref<64x512xi32, #tpu.memory_space<hbm>>
    tpu.wait_dma2 semaphore(%arg8 : memref<!tpu.dma_semaphore, #tpu.memory_space<semaphore_mem>>) src(%dma_wait3A_54 : memref<64x512xi32, #tpu.memory_space<hbm>>) dst(%arg5 : memref<64x512xi32, #tpu.memory_space<vmem>>)
    %scan3A_55 = arith.constant 0 : i32
    %scan3A_56 = arith.constant 0 : i32
    %scan3A_57 = arith.constant 512 : i32
    %scan3A_58 = arith.addi %scan3A_56, %scan3A_57 : i32
    %scan3A_59 = arith.constant 1 : i32
    %scan3A_60 = scf.for %scan3A_192 = %scan3A_56 to %scan3A_58 step %scan3A_59 iter_args(%scan3A_193 = %scan3A_55) -> (i32)  : i32 {
      %mul3A_194 = arith.constant 4 : i32
      %mul3A_195 = arith.muli %scan3A_192, %mul3A_194 : i32
      %add3A_196 = arith.constant 0 : i32
      %add3A_197 = arith.addi %mul3A_195, %add3A_196 : i32
      %shift_right_arithmetic3A = arith.constant 5 : i32
      %shift_right_arithmetic3A_198 = arith.shrsi %add3A_197, %shift_right_arithmetic3A : i32
      %and3A = arith.constant 31 : i32
      %and3A_199 = arith.andi %add3A_197, %and3A : i32
      %mul3A_200 = arith.constant 16 : i32
      %mul3A_201 = arith.muli %and3A_199, %mul3A_200 : i32
      %get3A = arith.index_cast %shift_right_arithmetic3A_198 : i32 to index
      %get3A_202 = arith.index_cast %mul3A_201 : i32 to index
      %get3A_203 = tpu.vector_load %arg5[%get3A, %get3A_202] {strides = array<i32>} : memref<64x512xi32, #tpu.memory_space<vmem>>, vector<16xi32>,
      tpu.vector_store_idx %arg6[%get3A_203], %broadcast_in_dim3A_3 {add = true} : memref<4096xf32, #tpu.memory_space<vmem>>[vector<16xi32>], vector<16xf32>,
      %mul3A_204 = arith.constant 4 : i32
      %mul3A_205 = arith.muli %scan3A_192, %mul3A_204 : i32
      %add3A_206 = arith.constant 1 : i32
      %add3A_207 = arith.addi %mul3A_205, %add3A_206 : i32
      %shift_right_arithmetic3A_208 = arith.constant 5 : i32
      %shift_right_arithmetic3A_209 = arith.shrsi %add3A_207, %shift_right_arithmetic3A_208 : i32
      %and3A_210 = arith.constant 31 : i32
      %and3A_211 = arith.andi %add3A_207, %and3A_210 : i32
      %mul3A_212 = arith.constant 16 : i32
      %mul3A_213 = arith.muli %and3A_211, %mul3A_212 : i32
      %get3A_214 = arith.index_cast %shift_right_arithmetic3A_209 : i32 to index
      %get3A_215 = arith.index_cast %mul3A_213 : i32 to index
      %get3A_216 = tpu.vector_load %arg5[%get3A_214, %get3A_215] {strides = array<i32>} : memref<64x512xi32, #tpu.memory_space<vmem>>, vector<16xi32>,
      tpu.vector_store_idx %arg6[%get3A_216], %broadcast_in_dim3A_3 {add = true} : memref<4096xf32, #tpu.memory_space<vmem>>[vector<16xi32>], vector<16xf32>,
      %mul3A_217 = arith.constant 4 : i32
      %mul3A_218 = arith.muli %scan3A_192, %mul3A_217 : i32
      %add3A_219 = arith.constant 2 : i32
      %add3A_220 = arith.addi %mul3A_218, %add3A_219 : i32
      %shift_right_arithmetic3A_221 = arith.constant 5 : i32
      %shift_right_arithmetic3A_222 = arith.shrsi %add3A_220, %shift_right_arithmetic3A_221 : i32
      %and3A_223 = arith.constant 31 : i32
      %and3A_224 = arith.andi %add3A_220, %and3A_223 : i32
      %mul3A_225 = arith.constant 16 : i32
      %mul3A_226 = arith.muli %and3A_224, %mul3A_225 : i32
      %get3A_227 = arith.index_cast %shift_right_arithmetic3A_222 : i32 to index
      %get3A_228 = arith.index_cast %mul3A_226 : i32 to index
      %get3A_229 = tpu.vector_load %arg5[%get3A_227, %get3A_228] {strides = array<i32>} : memref<64x512xi32, #tpu.memory_space<vmem>>, vector<16xi32>,
      tpu.vector_store_idx %arg6[%get3A_229], %broadcast_in_dim3A_3 {add = true} : memref<4096xf32, #tpu.memory_space<vmem>>[vector<16xi32>], vector<16xf32>,
      %mul3A_230 = arith.constant 4 : i32
      %mul3A_231 = arith.muli %scan3A_192, %mul3A_230 : i32
      %add3A_232 = arith.constant 3 : i32
      %add3A_233 = arith.addi %mul3A_231, %add3A_232 : i32
      %shift_right_arithmetic3A_234 = arith.constant 5 : i32
      %shift_right_arithmetic3A_235 = arith.shrsi %add3A_233, %shift_right_arithmetic3A_234 : i32
      %and3A_236 = arith.constant 31 : i32
      %and3A_237 = arith.andi %add3A_233, %and3A_236 : i32
      %mul3A_238 = arith.constant 16 : i32
      %mul3A_239 = arith.muli %and3A_237, %mul3A_238 : i32
      %get3A_240 = arith.index_cast %shift_right_arithmetic3A_235 : i32 to index
      %get3A_241 = arith.index_cast %mul3A_239 : i32 to index
      %get3A_242 = tpu.vector_load %arg5[%get3A_240, %get3A_241] {strides = array<i32>} : memref<64x512xi32, #tpu.memory_space<vmem>>, vector<16xi32>,
      tpu.vector_store_idx %arg6[%get3A_242], %broadcast_in_dim3A_3 {add = true} : memref<4096xf32, #tpu.memory_space<vmem>>[vector<16xi32>], vector<16xf32>,
      %scan3A_243 = arith.constant 0 : i32
      scf.yield %scan3A_243 : i32
    }
    %scan3A_61 = arith.constant 512 : i32
    %dma_start3A_62 = arith.constant 192 : i32
    %dma_start3A_63 = arith.constant 0 : i32
    %dma_start3A_64 = tpu.memref_slice %arg2[%add3A, %dma_start3A_62, %dma_start3A_63] : memref<32x512x512xi32, #tpu.memory_space<hbm>> -> memref<1x64x512xi32, #tpu.memory_space<hbm>>
    %dma_start3A_65 = tpu.memref_squeeze %dma_start3A_64 : memref<1x64x512xi32, #tpu.memory_space<hbm>> -> memref<64x512xi32, #tpu.memory_space<hbm>>
    %dma_start3A_66 = arith.constant 192 : i32
    %dma_start3A_67 = arith.constant 0 : i32
    %dma_start3A_68 = tpu.memref_slice %arg2[%add3A, %dma_start3A_66, %dma_start3A_67] : memref<32x512x512xi32, #tpu.memory_space<hbm>> -> memref<1x64x512xi32, #tpu.memory_space<hbm>>
    %dma_start3A_69 = tpu.memref_squeeze %dma_start3A_68 : memref<1x64x512xi32, #tpu.memory_space<hbm>> -> memref<64x512xi32, #tpu.memory_space<hbm>>
    tpu.enqueue_dma source(%dma_start3A_69 : memref<64x512xi32, #tpu.memory_space<hbm>>) target(%arg5 : memref<64x512xi32, #tpu.memory_space<vmem>>) target_semaphore(%arg8 : memref<!tpu.dma_semaphore, #tpu.memory_space<semaphore_mem>>)
    %dma_wait3A_70 = arith.constant 128 : i32
    %dma_wait3A_71 = arith.constant 0 : i32
    %dma_wait3A_72 = tpu.memref_slice %arg2[%add3A, %dma_wait3A_70, %dma_wait3A_71] : memref<32x512x512xi32, #tpu.memory_space<hbm>> -> memref<1x64x512xi32, #tpu.memory_space<hbm>>
    %dma_wait3A_73 = tpu.memref_squeeze %dma_wait3A_72 : memref<1x64x512xi32, #tpu.memory_space<hbm>> -> memref<64x512xi32, #tpu.memory_space<hbm>>
    %dma_wait3A_74 = arith.constant 128 : i32
    %dma_wait3A_75 = arith.constant 0 : i32
    %dma_wait3A_76 = tpu.memref_slice %arg2[%add3A, %dma_wait3A_74, %dma_wait3A_75] : memref<32x512x512xi32, #tpu.memory_space<hbm>> -> memref<1x64x512xi32, #tpu.memory_space<hbm>>
    %dma_wait3A_77 = tpu.memref_squeeze %dma_wait3A_76 : memref<1x64x512xi32, #tpu.memory_space<hbm>> -> memref<64x512xi32, #tpu.memory_space<hbm>>
    tpu.wait_dma2 semaphore(%arg7 : memref<!tpu.dma_semaphore, #tpu.memory_space<semaphore_mem>>) src(%dma_wait3A_77 : memref<64x512xi32, #tpu.memory_space<hbm>>) dst(%arg4 : memref<64x512xi32, #tpu.memory_space<vmem>>)
    %scan3A_78 = arith.constant 0 : i32
    %scan3A_79 = arith.constant 0 : i32
    %scan3A_80 = arith.constant 512 : i32
    %scan3A_81 = arith.addi %scan3A_79, %scan3A_80 : i32
    %scan3A_82 = arith.constant 1 : i32
    %scan3A_83 = scf.for %scan3A_192 = %scan3A_79 to %scan3A_81 step %scan3A_82 iter_args(%scan3A_193 = %scan3A_78) -> (i32)  : i32 {
      %mul3A_194 = arith.constant 4 : i32
      %mul3A_195 = arith.muli %scan3A_192, %mul3A_194 : i32
      %add3A_196 = arith.constant 0 : i32
      %add3A_197 = arith.addi %mul3A_195, %add3A_196 : i32
      %shift_right_arithmetic3A = arith.constant 5 : i32
      %shift_right_arithmetic3A_198 = arith.shrsi %add3A_197, %shift_right_arithmetic3A : i32
      %and3A = arith.constant 31 : i32
      %and3A_199 = arith.andi %add3A_197, %and3A : i32
      %mul3A_200 = arith.constant 16 : i32
      %mul3A_201 = arith.muli %and3A_199, %mul3A_200 : i32
      %get3A = arith.index_cast %shift_right_arithmetic3A_198 : i32 to index
      %get3A_202 = arith.index_cast %mul3A_201 : i32 to index
      %get3A_203 = tpu.vector_load %arg4[%get3A, %get3A_202] {strides = array<i32>} : memref<64x512xi32, #tpu.memory_space<vmem>>, vector<16xi32>,
      tpu.vector_store_idx %arg6[%get3A_203], %broadcast_in_dim3A_3 {add = true} : memref<4096xf32, #tpu.memory_space<vmem>>[vector<16xi32>], vector<16xf32>,
      %mul3A_204 = arith.constant 4 : i32
      %mul3A_205 = arith.muli %scan3A_192, %mul3A_204 : i32
      %add3A_206 = arith.constant 1 : i32
      %add3A_207 = arith.addi %mul3A_205, %add3A_206 : i32
      %shift_right_arithmetic3A_208 = arith.constant 5 : i32
      %shift_right_arithmetic3A_209 = arith.shrsi %add3A_207, %shift_right_arithmetic3A_208 : i32
      %and3A_210 = arith.constant 31 : i32
      %and3A_211 = arith.andi %add3A_207, %and3A_210 : i32
      %mul3A_212 = arith.constant 16 : i32
      %mul3A_213 = arith.muli %and3A_211, %mul3A_212 : i32
      %get3A_214 = arith.index_cast %shift_right_arithmetic3A_209 : i32 to index
      %get3A_215 = arith.index_cast %mul3A_213 : i32 to index
      %get3A_216 = tpu.vector_load %arg4[%get3A_214, %get3A_215] {strides = array<i32>} : memref<64x512xi32, #tpu.memory_space<vmem>>, vector<16xi32>,
      tpu.vector_store_idx %arg6[%get3A_216], %broadcast_in_dim3A_3 {add = true} : memref<4096xf32, #tpu.memory_space<vmem>>[vector<16xi32>], vector<16xf32>,
      %mul3A_217 = arith.constant 4 : i32
      %mul3A_218 = arith.muli %scan3A_192, %mul3A_217 : i32
      %add3A_219 = arith.constant 2 : i32
      %add3A_220 = arith.addi %mul3A_218, %add3A_219 : i32
      %shift_right_arithmetic3A_221 = arith.constant 5 : i32
      %shift_right_arithmetic3A_222 = arith.shrsi %add3A_220, %shift_right_arithmetic3A_221 : i32
      %and3A_223 = arith.constant 31 : i32
      %and3A_224 = arith.andi %add3A_220, %and3A_223 : i32
      %mul3A_225 = arith.constant 16 : i32
      %mul3A_226 = arith.muli %and3A_224, %mul3A_225 : i32
      %get3A_227 = arith.index_cast %shift_right_arithmetic3A_222 : i32 to index
      %get3A_228 = arith.index_cast %mul3A_226 : i32 to index
      %get3A_229 = tpu.vector_load %arg4[%get3A_227, %get3A_228] {strides = array<i32>} : memref<64x512xi32, #tpu.memory_space<vmem>>, vector<16xi32>,
      tpu.vector_store_idx %arg6[%get3A_229], %broadcast_in_dim3A_3 {add = true} : memref<4096xf32, #tpu.memory_space<vmem>>[vector<16xi32>], vector<16xf32>,
      %mul3A_230 = arith.constant 4 : i32
      %mul3A_231 = arith.muli %scan3A_192, %mul3A_230 : i32
      %add3A_232 = arith.constant 3 : i32
      %add3A_233 = arith.addi %mul3A_231, %add3A_232 : i32
      %shift_right_arithmetic3A_234 = arith.constant 5 : i32
      %shift_right_arithmetic3A_235 = arith.shrsi %add3A_233, %shift_right_arithmetic3A_234 : i32
      %and3A_236 = arith.constant 31 : i32
      %and3A_237 = arith.andi %add3A_233, %and3A_236 : i32
      %mul3A_238 = arith.constant 16 : i32
      %mul3A_239 = arith.muli %and3A_237, %mul3A_238 : i32
      %get3A_240 = arith.index_cast %shift_right_arithmetic3A_235 : i32 to index
      %get3A_241 = arith.index_cast %mul3A_239 : i32 to index
      %get3A_242 = tpu.vector_load %arg4[%get3A_240, %get3A_241] {strides = array<i32>} : memref<64x512xi32, #tpu.memory_space<vmem>>, vector<16xi32>,
      tpu.vector_store_idx %arg6[%get3A_242], %broadcast_in_dim3A_3 {add = true} : memref<4096xf32, #tpu.memory_space<vmem>>[vector<16xi32>], vector<16xf32>,
      %scan3A_243 = arith.constant 0 : i32
      scf.yield %scan3A_243 : i32
    }
    %scan3A_84 = arith.constant 512 : i32
    %dma_start3A_85 = arith.constant 256 : i32
    %dma_start3A_86 = arith.constant 0 : i32
    %dma_start3A_87 = tpu.memref_slice %arg2[%add3A, %dma_start3A_85, %dma_start3A_86] : memref<32x512x512xi32, #tpu.memory_space<hbm>> -> memref<1x64x512xi32, #tpu.memory_space<hbm>>
    %dma_start3A_88 = tpu.memref_squeeze %dma_start3A_87 : memref<1x64x512xi32, #tpu.memory_space<hbm>> -> memref<64x512xi32, #tpu.memory_space<hbm>>
    %dma_start3A_89 = arith.constant 256 : i32
    %dma_start3A_90 = arith.constant 0 : i32
    %dma_start3A_91 = tpu.memref_slice %arg2[%add3A, %dma_start3A_89, %dma_start3A_90] : memref<32x512x512xi32, #tpu.memory_space<hbm>> -> memref<1x64x512xi32, #tpu.memory_space<hbm>>
    %dma_start3A_92 = tpu.memref_squeeze %dma_start3A_91 : memref<1x64x512xi32, #tpu.memory_space<hbm>> -> memref<64x512xi32, #tpu.memory_space<hbm>>
    tpu.enqueue_dma source(%dma_start3A_92 : memref<64x512xi32, #tpu.memory_space<hbm>>) target(%arg4 : memref<64x512xi32, #tpu.memory_space<vmem>>) target_semaphore(%arg7 : memref<!tpu.dma_semaphore, #tpu.memory_space<semaphore_mem>>)
    %dma_wait3A_93 = arith.constant 192 : i32
    %dma_wait3A_94 = arith.constant 0 : i32
    %dma_wait3A_95 = tpu.memref_slice %arg2[%add3A, %dma_wait3A_93, %dma_wait3A_94] : memref<32x512x512xi32, #tpu.memory_space<hbm>> -> memref<1x64x512xi32, #tpu.memory_space<hbm>>
    %dma_wait3A_96 = tpu.memref_squeeze %dma_wait3A_95 : memref<1x64x512xi32, #tpu.memory_space<hbm>> -> memref<64x512xi32, #tpu.memory_space<hbm>>
    %dma_wait3A_97 = arith.constant 192 : i32
    %dma_wait3A_98 = arith.constant 0 : i32
    %dma_wait3A_99 = tpu.memref_slice %arg2[%add3A, %dma_wait3A_97, %dma_wait3A_98] : memref<32x512x512xi32, #tpu.memory_space<hbm>> -> memref<1x64x512xi32, #tpu.memory_space<hbm>>
    %dma_wait3A_100 = tpu.memref_squeeze %dma_wait3A_99 : memref<1x64x512xi32, #tpu.memory_space<hbm>> -> memref<64x512xi32, #tpu.memory_space<hbm>>
    tpu.wait_dma2 semaphore(%arg8 : memref<!tpu.dma_semaphore, #tpu.memory_space<semaphore_mem>>) src(%dma_wait3A_100 : memref<64x512xi32, #tpu.memory_space<hbm>>) dst(%arg5 : memref<64x512xi32, #tpu.memory_space<vmem>>)
    %scan3A_101 = arith.constant 0 : i32
    %scan3A_102 = arith.constant 0 : i32
    %scan3A_103 = arith.constant 512 : i32
    %scan3A_104 = arith.addi %scan3A_102, %scan3A_103 : i32
    %scan3A_105 = arith.constant 1 : i32
    %scan3A_106 = scf.for %scan3A_192 = %scan3A_102 to %scan3A_104 step %scan3A_105 iter_args(%scan3A_193 = %scan3A_101) -> (i32)  : i32 {
      %mul3A_194 = arith.constant 4 : i32
      %mul3A_195 = arith.muli %scan3A_192, %mul3A_194 : i32
      %add3A_196 = arith.constant 0 : i32
      %add3A_197 = arith.addi %mul3A_195, %add3A_196 : i32
      %shift_right_arithmetic3A = arith.constant 5 : i32
      %shift_right_arithmetic3A_198 = arith.shrsi %add3A_197, %shift_right_arithmetic3A : i32
      %and3A = arith.constant 31 : i32
      %and3A_199 = arith.andi %add3A_197, %and3A : i32
      %mul3A_200 = arith.constant 16 : i32
      %mul3A_201 = arith.muli %and3A_199, %mul3A_200 : i32
      %get3A = arith.index_cast %shift_right_arithmetic3A_198 : i32 to index
      %get3A_202 = arith.index_cast %mul3A_201 : i32 to index
      %get3A_203 = tpu.vector_load %arg5[%get3A, %get3A_202] {strides = array<i32>} : memref<64x512xi32, #tpu.memory_space<vmem>>, vector<16xi32>,
      tpu.vector_store_idx %arg6[%get3A_203], %broadcast_in_dim3A_3 {add = true} : memref<4096xf32, #tpu.memory_space<vmem>>[vector<16xi32>], vector<16xf32>,
      %mul3A_204 = arith.constant 4 : i32
      %mul3A_205 = arith.muli %scan3A_192, %mul3A_204 : i32
      %add3A_206 = arith.constant 1 : i32
      %add3A_207 = arith.addi %mul3A_205, %add3A_206 : i32
      %shift_right_arithmetic3A_208 = arith.constant 5 : i32
      %shift_right_arithmetic3A_209 = arith.shrsi %add3A_207, %shift_right_arithmetic3A_208 : i32
      %and3A_210 = arith.constant 31 : i32
      %and3A_211 = arith.andi %add3A_207, %and3A_210 : i32
      %mul3A_212 = arith.constant 16 : i32
      %mul3A_213 = arith.muli %and3A_211, %mul3A_212 : i32
      %get3A_214 = arith.index_cast %shift_right_arithmetic3A_209 : i32 to index
      %get3A_215 = arith.index_cast %mul3A_213 : i32 to index
      %get3A_216 = tpu.vector_load %arg5[%get3A_214, %get3A_215] {strides = array<i32>} : memref<64x512xi32, #tpu.memory_space<vmem>>, vector<16xi32>,
      tpu.vector_store_idx %arg6[%get3A_216], %broadcast_in_dim3A_3 {add = true} : memref<4096xf32, #tpu.memory_space<vmem>>[vector<16xi32>], vector<16xf32>,
      %mul3A_217 = arith.constant 4 : i32
      %mul3A_218 = arith.muli %scan3A_192, %mul3A_217 : i32
      %add3A_219 = arith.constant 2 : i32
      %add3A_220 = arith.addi %mul3A_218, %add3A_219 : i32
      %shift_right_arithmetic3A_221 = arith.constant 5 : i32
      %shift_right_arithmetic3A_222 = arith.shrsi %add3A_220, %shift_right_arithmetic3A_221 : i32
      %and3A_223 = arith.constant 31 : i32
      %and3A_224 = arith.andi %add3A_220, %and3A_223 : i32
      %mul3A_225 = arith.constant 16 : i32
      %mul3A_226 = arith.muli %and3A_224, %mul3A_225 : i32
      %get3A_227 = arith.index_cast %shift_right_arithmetic3A_222 : i32 to index
      %get3A_228 = arith.index_cast %mul3A_226 : i32 to index
      %get3A_229 = tpu.vector_load %arg5[%get3A_227, %get3A_228] {strides = array<i32>} : memref<64x512xi32, #tpu.memory_space<vmem>>, vector<16xi32>,
      tpu.vector_store_idx %arg6[%get3A_229], %broadcast_in_dim3A_3 {add = true} : memref<4096xf32, #tpu.memory_space<vmem>>[vector<16xi32>], vector<16xf32>,
      %mul3A_230 = arith.constant 4 : i32
      %mul3A_231 = arith.muli %scan3A_192, %mul3A_230 : i32
      %add3A_232 = arith.constant 3 : i32
      %add3A_233 = arith.addi %mul3A_231, %add3A_232 : i32
      %shift_right_arithmetic3A_234 = arith.constant 5 : i32
      %shift_right_arithmetic3A_235 = arith.shrsi %add3A_233, %shift_right_arithmetic3A_234 : i32
      %and3A_236 = arith.constant 31 : i32
      %and3A_237 = arith.andi %add3A_233, %and3A_236 : i32
      %mul3A_238 = arith.constant 16 : i32
      %mul3A_239 = arith.muli %and3A_237, %mul3A_238 : i32
      %get3A_240 = arith.index_cast %shift_right_arithmetic3A_235 : i32 to index
      %get3A_241 = arith.index_cast %mul3A_239 : i32 to index
      %get3A_242 = tpu.vector_load %arg5[%get3A_240, %get3A_241] {strides = array<i32>} : memref<64x512xi32, #tpu.memory_space<vmem>>, vector<16xi32>,
      tpu.vector_store_idx %arg6[%get3A_242], %broadcast_in_dim3A_3 {add = true} : memref<4096xf32, #tpu.memory_space<vmem>>[vector<16xi32>], vector<16xf32>,
      %scan3A_243 = arith.constant 0 : i32
      scf.yield %scan3A_243 : i32
    }
    %scan3A_107 = arith.constant 512 : i32
    %dma_start3A_108 = arith.constant 320 : i32
    %dma_start3A_109 = arith.constant 0 : i32
    %dma_start3A_110 = tpu.memref_slice %arg2[%add3A, %dma_start3A_108, %dma_start3A_109] : memref<32x512x512xi32, #tpu.memory_space<hbm>> -> memref<1x64x512xi32, #tpu.memory_space<hbm>>
    %dma_start3A_111 = tpu.memref_squeeze %dma_start3A_110 : memref<1x64x512xi32, #tpu.memory_space<hbm>> -> memref<64x512xi32, #tpu.memory_space<hbm>>
    %dma_start3A_112 = arith.constant 320 : i32
    %dma_start3A_113 = arith.constant 0 : i32
    %dma_start3A_114 = tpu.memref_slice %arg2[%add3A, %dma_start3A_112, %dma_start3A_113] : memref<32x512x512xi32, #tpu.memory_space<hbm>> -> memref<1x64x512xi32, #tpu.memory_space<hbm>>
    %dma_start3A_115 = tpu.memref_squeeze %dma_start3A_114 : memref<1x64x512xi32, #tpu.memory_space<hbm>> -> memref<64x512xi32, #tpu.memory_space<hbm>>
    tpu.enqueue_dma source(%dma_start3A_115 : memref<64x512xi32, #tpu.memory_space<hbm>>) target(%arg5 : memref<64x512xi32, #tpu.memory_space<vmem>>) target_semaphore(%arg8 : memref<!tpu.dma_semaphore, #tpu.memory_space<semaphore_mem>>)
    %dma_wait3A_116 = arith.constant 256 : i32
    %dma_wait3A_117 = arith.constant 0 : i32
    %dma_wait3A_118 = tpu.memref_slice %arg2[%add3A, %dma_wait3A_116, %dma_wait3A_117] : memref<32x512x512xi32, #tpu.memory_space<hbm>> -> memref<1x64x512xi32, #tpu.memory_space<hbm>>
    %dma_wait3A_119 = tpu.memref_squeeze %dma_wait3A_118 : memref<1x64x512xi32, #tpu.memory_space<hbm>> -> memref<64x512xi32, #tpu.memory_space<hbm>>
    %dma_wait3A_120 = arith.constant 256 : i32
    %dma_wait3A_121 = arith.constant 0 : i32
    %dma_wait3A_122 = tpu.memref_slice %arg2[%add3A, %dma_wait3A_120, %dma_wait3A_121] : memref<32x512x512xi32, #tpu.memory_space<hbm>> -> memref<1x64x512xi32, #tpu.memory_space<hbm>>
    %dma_wait3A_123 = tpu.memref_squeeze %dma_wait3A_122 : memref<1x64x512xi32, #tpu.memory_space<hbm>> -> memref<64x512xi32, #tpu.memory_space<hbm>>
    tpu.wait_dma2 semaphore(%arg7 : memref<!tpu.dma_semaphore, #tpu.memory_space<semaphore_mem>>) src(%dma_wait3A_123 : memref<64x512xi32, #tpu.memory_space<hbm>>) dst(%arg4 : memref<64x512xi32, #tpu.memory_space<vmem>>)
    %scan3A_124 = arith.constant 0 : i32
    %scan3A_125 = arith.constant 0 : i32
    %scan3A_126 = arith.constant 512 : i32
    %scan3A_127 = arith.addi %scan3A_125, %scan3A_126 : i32
    %scan3A_128 = arith.constant 1 : i32
    %scan3A_129 = scf.for %scan3A_192 = %scan3A_125 to %scan3A_127 step %scan3A_128 iter_args(%scan3A_193 = %scan3A_124) -> (i32)  : i32 {
      %mul3A_194 = arith.constant 4 : i32
      %mul3A_195 = arith.muli %scan3A_192, %mul3A_194 : i32
      %add3A_196 = arith.constant 0 : i32
      %add3A_197 = arith.addi %mul3A_195, %add3A_196 : i32
      %shift_right_arithmetic3A = arith.constant 5 : i32
      %shift_right_arithmetic3A_198 = arith.shrsi %add3A_197, %shift_right_arithmetic3A : i32
      %and3A = arith.constant 31 : i32
      %and3A_199 = arith.andi %add3A_197, %and3A : i32
      %mul3A_200 = arith.constant 16 : i32
      %mul3A_201 = arith.muli %and3A_199, %mul3A_200 : i32
      %get3A = arith.index_cast %shift_right_arithmetic3A_198 : i32 to index
      %get3A_202 = arith.index_cast %mul3A_201 : i32 to index
      %get3A_203 = tpu.vector_load %arg4[%get3A, %get3A_202] {strides = array<i32>} : memref<64x512xi32, #tpu.memory_space<vmem>>, vector<16xi32>,
      tpu.vector_store_idx %arg6[%get3A_203], %broadcast_in_dim3A_3 {add = true} : memref<4096xf32, #tpu.memory_space<vmem>>[vector<16xi32>], vector<16xf32>,
      %mul3A_204 = arith.constant 4 : i32
      %mul3A_205 = arith.muli %scan3A_192, %mul3A_204 : i32
      %add3A_206 = arith.constant 1 : i32
      %add3A_207 = arith.addi %mul3A_205, %add3A_206 : i32
      %shift_right_arithmetic3A_208 = arith.constant 5 : i32
      %shift_right_arithmetic3A_209 = arith.shrsi %add3A_207, %shift_right_arithmetic3A_208 : i32
      %and3A_210 = arith.constant 31 : i32
      %and3A_211 = arith.andi %add3A_207, %and3A_210 : i32
      %mul3A_212 = arith.constant 16 : i32
      %mul3A_213 = arith.muli %and3A_211, %mul3A_212 : i32
      %get3A_214 = arith.index_cast %shift_right_arithmetic3A_209 : i32 to index
      %get3A_215 = arith.index_cast %mul3A_213 : i32 to index
      %get3A_216 = tpu.vector_load %arg4[%get3A_214, %get3A_215] {strides = array<i32>} : memref<64x512xi32, #tpu.memory_space<vmem>>, vector<16xi32>,
      tpu.vector_store_idx %arg6[%get3A_216], %broadcast_in_dim3A_3 {add = true} : memref<4096xf32, #tpu.memory_space<vmem>>[vector<16xi32>], vector<16xf32>,
      %mul3A_217 = arith.constant 4 : i32
      %mul3A_218 = arith.muli %scan3A_192, %mul3A_217 : i32
      %add3A_219 = arith.constant 2 : i32
      %add3A_220 = arith.addi %mul3A_218, %add3A_219 : i32
      %shift_right_arithmetic3A_221 = arith.constant 5 : i32
      %shift_right_arithmetic3A_222 = arith.shrsi %add3A_220, %shift_right_arithmetic3A_221 : i32
      %and3A_223 = arith.constant 31 : i32
      %and3A_224 = arith.andi %add3A_220, %and3A_223 : i32
      %mul3A_225 = arith.constant 16 : i32
      %mul3A_226 = arith.muli %and3A_224, %mul3A_225 : i32
      %get3A_227 = arith.index_cast %shift_right_arithmetic3A_222 : i32 to index
      %get3A_228 = arith.index_cast %mul3A_226 : i32 to index
      %get3A_229 = tpu.vector_load %arg4[%get3A_227, %get3A_228] {strides = array<i32>} : memref<64x512xi32, #tpu.memory_space<vmem>>, vector<16xi32>,
      tpu.vector_store_idx %arg6[%get3A_229], %broadcast_in_dim3A_3 {add = true} : memref<4096xf32, #tpu.memory_space<vmem>>[vector<16xi32>], vector<16xf32>,
      %mul3A_230 = arith.constant 4 : i32
      %mul3A_231 = arith.muli %scan3A_192, %mul3A_230 : i32
      %add3A_232 = arith.constant 3 : i32
      %add3A_233 = arith.addi %mul3A_231, %add3A_232 : i32
      %shift_right_arithmetic3A_234 = arith.constant 5 : i32
      %shift_right_arithmetic3A_235 = arith.shrsi %add3A_233, %shift_right_arithmetic3A_234 : i32
      %and3A_236 = arith.constant 31 : i32
      %and3A_237 = arith.andi %add3A_233, %and3A_236 : i32
      %mul3A_238 = arith.constant 16 : i32
      %mul3A_239 = arith.muli %and3A_237, %mul3A_238 : i32
      %get3A_240 = arith.index_cast %shift_right_arithmetic3A_235 : i32 to index
      %get3A_241 = arith.index_cast %mul3A_239 : i32 to index
      %get3A_242 = tpu.vector_load %arg4[%get3A_240, %get3A_241] {strides = array<i32>} : memref<64x512xi32, #tpu.memory_space<vmem>>, vector<16xi32>,
      tpu.vector_store_idx %arg6[%get3A_242], %broadcast_in_dim3A_3 {add = true} : memref<4096xf32, #tpu.memory_space<vmem>>[vector<16xi32>], vector<16xf32>,
      %scan3A_243 = arith.constant 0 : i32
      scf.yield %scan3A_243 : i32
    }
    %scan3A_130 = arith.constant 512 : i32
    %dma_start3A_131 = arith.constant 384 : i32
    %dma_start3A_132 = arith.constant 0 : i32
    %dma_start3A_133 = tpu.memref_slice %arg2[%add3A, %dma_start3A_131, %dma_start3A_132] : memref<32x512x512xi32, #tpu.memory_space<hbm>> -> memref<1x64x512xi32, #tpu.memory_space<hbm>>
    %dma_start3A_134 = tpu.memref_squeeze %dma_start3A_133 : memref<1x64x512xi32, #tpu.memory_space<hbm>> -> memref<64x512xi32, #tpu.memory_space<hbm>>
    %dma_start3A_135 = arith.constant 384 : i32
    %dma_start3A_136 = arith.constant 0 : i32
    %dma_start3A_137 = tpu.memref_slice %arg2[%add3A, %dma_start3A_135, %dma_start3A_136] : memref<32x512x512xi32, #tpu.memory_space<hbm>> -> memref<1x64x512xi32, #tpu.memory_space<hbm>>
    %dma_start3A_138 = tpu.memref_squeeze %dma_start3A_137 : memref<1x64x512xi32, #tpu.memory_space<hbm>> -> memref<64x512xi32, #tpu.memory_space<hbm>>
    tpu.enqueue_dma source(%dma_start3A_138 : memref<64x512xi32, #tpu.memory_space<hbm>>) target(%arg4 : memref<64x512xi32, #tpu.memory_space<vmem>>) target_semaphore(%arg7 : memref<!tpu.dma_semaphore, #tpu.memory_space<semaphore_mem>>)
    %dma_wait3A_139 = arith.constant 320 : i32
    %dma_wait3A_140 = arith.constant 0 : i32
    %dma_wait3A_141 = tpu.memref_slice %arg2[%add3A, %dma_wait3A_139, %dma_wait3A_140] : memref<32x512x512xi32, #tpu.memory_space<hbm>> -> memref<1x64x512xi32, #tpu.memory_space<hbm>>
    %dma_wait3A_142 = tpu.memref_squeeze %dma_wait3A_141 : memref<1x64x512xi32, #tpu.memory_space<hbm>> -> memref<64x512xi32, #tpu.memory_space<hbm>>
    %dma_wait3A_143 = arith.constant 320 : i32
    %dma_wait3A_144 = arith.constant 0 : i32
    %dma_wait3A_145 = tpu.memref_slice %arg2[%add3A, %dma_wait3A_143, %dma_wait3A_144] : memref<32x512x512xi32, #tpu.memory_space<hbm>> -> memref<1x64x512xi32, #tpu.memory_space<hbm>>
    %dma_wait3A_146 = tpu.memref_squeeze %dma_wait3A_145 : memref<1x64x512xi32, #tpu.memory_space<hbm>> -> memref<64x512xi32, #tpu.memory_space<hbm>>
    tpu.wait_dma2 semaphore(%arg8 : memref<!tpu.dma_semaphore, #tpu.memory_space<semaphore_mem>>) src(%dma_wait3A_146 : memref<64x512xi32, #tpu.memory_space<hbm>>) dst(%arg5 : memref<64x512xi32, #tpu.memory_space<vmem>>)
    %scan3A_147 = arith.constant 0 : i32
    %scan3A_148 = arith.constant 0 : i32
    %scan3A_149 = arith.constant 512 : i32
    %scan3A_150 = arith.addi %scan3A_148, %scan3A_149 : i32
    %scan3A_151 = arith.constant 1 : i32
    %scan3A_152 = scf.for %scan3A_192 = %scan3A_148 to %scan3A_150 step %scan3A_151 iter_args(%scan3A_193 = %scan3A_147) -> (i32)  : i32 {
      %mul3A_194 = arith.constant 4 : i32
      %mul3A_195 = arith.muli %scan3A_192, %mul3A_194 : i32
      %add3A_196 = arith.constant 0 : i32
      %add3A_197 = arith.addi %mul3A_195, %add3A_196 : i32
      %shift_right_arithmetic3A = arith.constant 5 : i32
      %shift_right_arithmetic3A_198 = arith.shrsi %add3A_197, %shift_right_arithmetic3A : i32
      %and3A = arith.constant 31 : i32
      %and3A_199 = arith.andi %add3A_197, %and3A : i32
      %mul3A_200 = arith.constant 16 : i32
      %mul3A_201 = arith.muli %and3A_199, %mul3A_200 : i32
      %get3A = arith.index_cast %shift_right_arithmetic3A_198 : i32 to index
      %get3A_202 = arith.index_cast %mul3A_201 : i32 to index
      %get3A_203 = tpu.vector_load %arg5[%get3A, %get3A_202] {strides = array<i32>} : memref<64x512xi32, #tpu.memory_space<vmem>>, vector<16xi32>,
      tpu.vector_store_idx %arg6[%get3A_203], %broadcast_in_dim3A_3 {add = true} : memref<4096xf32, #tpu.memory_space<vmem>>[vector<16xi32>], vector<16xf32>,
      %mul3A_204 = arith.constant 4 : i32
      %mul3A_205 = arith.muli %scan3A_192, %mul3A_204 : i32
      %add3A_206 = arith.constant 1 : i32
      %add3A_207 = arith.addi %mul3A_205, %add3A_206 : i32
      %shift_right_arithmetic3A_208 = arith.constant 5 : i32
      %shift_right_arithmetic3A_209 = arith.shrsi %add3A_207, %shift_right_arithmetic3A_208 : i32
      %and3A_210 = arith.constant 31 : i32
      %and3A_211 = arith.andi %add3A_207, %and3A_210 : i32
      %mul3A_212 = arith.constant 16 : i32
      %mul3A_213 = arith.muli %and3A_211, %mul3A_212 : i32
      %get3A_214 = arith.index_cast %shift_right_arithmetic3A_209 : i32 to index
      %get3A_215 = arith.index_cast %mul3A_213 : i32 to index
      %get3A_216 = tpu.vector_load %arg5[%get3A_214, %get3A_215] {strides = array<i32>} : memref<64x512xi32, #tpu.memory_space<vmem>>, vector<16xi32>,
      tpu.vector_store_idx %arg6[%get3A_216], %broadcast_in_dim3A_3 {add = true} : memref<4096xf32, #tpu.memory_space<vmem>>[vector<16xi32>], vector<16xf32>,
      %mul3A_217 = arith.constant 4 : i32
      %mul3A_218 = arith.muli %scan3A_192, %mul3A_217 : i32
      %add3A_219 = arith.constant 2 : i32
      %add3A_220 = arith.addi %mul3A_218, %add3A_219 : i32
      %shift_right_arithmetic3A_221 = arith.constant 5 : i32
      %shift_right_arithmetic3A_222 = arith.shrsi %add3A_220, %shift_right_arithmetic3A_221 : i32
      %and3A_223 = arith.constant 31 : i32
      %and3A_224 = arith.andi %add3A_220, %and3A_223 : i32
      %mul3A_225 = arith.constant 16 : i32
      %mul3A_226 = arith.muli %and3A_224, %mul3A_225 : i32
      %get3A_227 = arith.index_cast %shift_right_arithmetic3A_222 : i32 to index
      %get3A_228 = arith.index_cast %mul3A_226 : i32 to index
      %get3A_229 = tpu.vector_load %arg5[%get3A_227, %get3A_228] {strides = array<i32>} : memref<64x512xi32, #tpu.memory_space<vmem>>, vector<16xi32>,
      tpu.vector_store_idx %arg6[%get3A_229], %broadcast_in_dim3A_3 {add = true} : memref<4096xf32, #tpu.memory_space<vmem>>[vector<16xi32>], vector<16xf32>,
      %mul3A_230 = arith.constant 4 : i32
      %mul3A_231 = arith.muli %scan3A_192, %mul3A_230 : i32
      %add3A_232 = arith.constant 3 : i32
      %add3A_233 = arith.addi %mul3A_231, %add3A_232 : i32
      %shift_right_arithmetic3A_234 = arith.constant 5 : i32
      %shift_right_arithmetic3A_235 = arith.shrsi %add3A_233, %shift_right_arithmetic3A_234 : i32
      %and3A_236 = arith.constant 31 : i32
      %and3A_237 = arith.andi %add3A_233, %and3A_236 : i32
      %mul3A_238 = arith.constant 16 : i32
      %mul3A_239 = arith.muli %and3A_237, %mul3A_238 : i32
      %get3A_240 = arith.index_cast %shift_right_arithmetic3A_235 : i32 to index
      %get3A_241 = arith.index_cast %mul3A_239 : i32 to index
      %get3A_242 = tpu.vector_load %arg5[%get3A_240, %get3A_241] {strides = array<i32>} : memref<64x512xi32, #tpu.memory_space<vmem>>, vector<16xi32>,
      tpu.vector_store_idx %arg6[%get3A_242], %broadcast_in_dim3A_3 {add = true} : memref<4096xf32, #tpu.memory_space<vmem>>[vector<16xi32>], vector<16xf32>,
      %scan3A_243 = arith.constant 0 : i32
      scf.yield %scan3A_243 : i32
    }
    %scan3A_153 = arith.constant 512 : i32
    %dma_start3A_154 = arith.constant 448 : i32
    %dma_start3A_155 = arith.constant 0 : i32
    %dma_start3A_156 = tpu.memref_slice %arg2[%add3A, %dma_start3A_154, %dma_start3A_155] : memref<32x512x512xi32, #tpu.memory_space<hbm>> -> memref<1x64x512xi32, #tpu.memory_space<hbm>>
    %dma_start3A_157 = tpu.memref_squeeze %dma_start3A_156 : memref<1x64x512xi32, #tpu.memory_space<hbm>> -> memref<64x512xi32, #tpu.memory_space<hbm>>
    %dma_start3A_158 = arith.constant 448 : i32
    %dma_start3A_159 = arith.constant 0 : i32
    %dma_start3A_160 = tpu.memref_slice %arg2[%add3A, %dma_start3A_158, %dma_start3A_159] : memref<32x512x512xi32, #tpu.memory_space<hbm>> -> memref<1x64x512xi32, #tpu.memory_space<hbm>>
    %dma_start3A_161 = tpu.memref_squeeze %dma_start3A_160 : memref<1x64x512xi32, #tpu.memory_space<hbm>> -> memref<64x512xi32, #tpu.memory_space<hbm>>
    tpu.enqueue_dma source(%dma_start3A_161 : memref<64x512xi32, #tpu.memory_space<hbm>>) target(%arg5 : memref<64x512xi32, #tpu.memory_space<vmem>>) target_semaphore(%arg8 : memref<!tpu.dma_semaphore, #tpu.memory_space<semaphore_mem>>)
    %dma_wait3A_162 = arith.constant 384 : i32
    %dma_wait3A_163 = arith.constant 0 : i32
    %dma_wait3A_164 = tpu.memref_slice %arg2[%add3A, %dma_wait3A_162, %dma_wait3A_163] : memref<32x512x512xi32, #tpu.memory_space<hbm>> -> memref<1x64x512xi32, #tpu.memory_space<hbm>>
    %dma_wait3A_165 = tpu.memref_squeeze %dma_wait3A_164 : memref<1x64x512xi32, #tpu.memory_space<hbm>> -> memref<64x512xi32, #tpu.memory_space<hbm>>
    %dma_wait3A_166 = arith.constant 384 : i32
    %dma_wait3A_167 = arith.constant 0 : i32
    %dma_wait3A_168 = tpu.memref_slice %arg2[%add3A, %dma_wait3A_166, %dma_wait3A_167] : memref<32x512x512xi32, #tpu.memory_space<hbm>> -> memref<1x64x512xi32, #tpu.memory_space<hbm>>
    %dma_wait3A_169 = tpu.memref_squeeze %dma_wait3A_168 : memref<1x64x512xi32, #tpu.memory_space<hbm>> -> memref<64x512xi32, #tpu.memory_space<hbm>>
    tpu.wait_dma2 semaphore(%arg7 : memref<!tpu.dma_semaphore, #tpu.memory_space<semaphore_mem>>) src(%dma_wait3A_169 : memref<64x512xi32, #tpu.memory_space<hbm>>) dst(%arg4 : memref<64x512xi32, #tpu.memory_space<vmem>>)
    %scan3A_170 = arith.constant 0 : i32
    %scan3A_171 = arith.constant 0 : i32
    %scan3A_172 = arith.constant 512 : i32
    %scan3A_173 = arith.addi %scan3A_171, %scan3A_172 : i32
    %scan3A_174 = arith.constant 1 : i32
    %scan3A_175 = scf.for %scan3A_192 = %scan3A_171 to %scan3A_173 step %scan3A_174 iter_args(%scan3A_193 = %scan3A_170) -> (i32)  : i32 {
      %mul3A_194 = arith.constant 4 : i32
      %mul3A_195 = arith.muli %scan3A_192, %mul3A_194 : i32
      %add3A_196 = arith.constant 0 : i32
      %add3A_197 = arith.addi %mul3A_195, %add3A_196 : i32
      %shift_right_arithmetic3A = arith.constant 5 : i32
      %shift_right_arithmetic3A_198 = arith.shrsi %add3A_197, %shift_right_arithmetic3A : i32
      %and3A = arith.constant 31 : i32
      %and3A_199 = arith.andi %add3A_197, %and3A : i32
      %mul3A_200 = arith.constant 16 : i32
      %mul3A_201 = arith.muli %and3A_199, %mul3A_200 : i32
      %get3A = arith.index_cast %shift_right_arithmetic3A_198 : i32 to index
      %get3A_202 = arith.index_cast %mul3A_201 : i32 to index
      %get3A_203 = tpu.vector_load %arg4[%get3A, %get3A_202] {strides = array<i32>} : memref<64x512xi32, #tpu.memory_space<vmem>>, vector<16xi32>,
      tpu.vector_store_idx %arg6[%get3A_203], %broadcast_in_dim3A_3 {add = true} : memref<4096xf32, #tpu.memory_space<vmem>>[vector<16xi32>], vector<16xf32>,
      %mul3A_204 = arith.constant 4 : i32
      %mul3A_205 = arith.muli %scan3A_192, %mul3A_204 : i32
      %add3A_206 = arith.constant 1 : i32
      %add3A_207 = arith.addi %mul3A_205, %add3A_206 : i32
      %shift_right_arithmetic3A_208 = arith.constant 5 : i32
      %shift_right_arithmetic3A_209 = arith.shrsi %add3A_207, %shift_right_arithmetic3A_208 : i32
      %and3A_210 = arith.constant 31 : i32
      %and3A_211 = arith.andi %add3A_207, %and3A_210 : i32
      %mul3A_212 = arith.constant 16 : i32
      %mul3A_213 = arith.muli %and3A_211, %mul3A_212 : i32
      %get3A_214 = arith.index_cast %shift_right_arithmetic3A_209 : i32 to index
      %get3A_215 = arith.index_cast %mul3A_213 : i32 to index
      %get3A_216 = tpu.vector_load %arg4[%get3A_214, %get3A_215] {strides = array<i32>} : memref<64x512xi32, #tpu.memory_space<vmem>>, vector<16xi32>,
      tpu.vector_store_idx %arg6[%get3A_216], %broadcast_in_dim3A_3 {add = true} : memref<4096xf32, #tpu.memory_space<vmem>>[vector<16xi32>], vector<16xf32>,
      %mul3A_217 = arith.constant 4 : i32
      %mul3A_218 = arith.muli %scan3A_192, %mul3A_217 : i32
      %add3A_219 = arith.constant 2 : i32
      %add3A_220 = arith.addi %mul3A_218, %add3A_219 : i32
      %shift_right_arithmetic3A_221 = arith.constant 5 : i32
      %shift_right_arithmetic3A_222 = arith.shrsi %add3A_220, %shift_right_arithmetic3A_221 : i32
      %and3A_223 = arith.constant 31 : i32
      %and3A_224 = arith.andi %add3A_220, %and3A_223 : i32
      %mul3A_225 = arith.constant 16 : i32
      %mul3A_226 = arith.muli %and3A_224, %mul3A_225 : i32
      %get3A_227 = arith.index_cast %shift_right_arithmetic3A_222 : i32 to index
      %get3A_228 = arith.index_cast %mul3A_226 : i32 to index
      %get3A_229 = tpu.vector_load %arg4[%get3A_227, %get3A_228] {strides = array<i32>} : memref<64x512xi32, #tpu.memory_space<vmem>>, vector<16xi32>,
      tpu.vector_store_idx %arg6[%get3A_229], %broadcast_in_dim3A_3 {add = true} : memref<4096xf32, #tpu.memory_space<vmem>>[vector<16xi32>], vector<16xf32>,
      %mul3A_230 = arith.constant 4 : i32
      %mul3A_231 = arith.muli %scan3A_192, %mul3A_230 : i32
      %add3A_232 = arith.constant 3 : i32
      %add3A_233 = arith.addi %mul3A_231, %add3A_232 : i32
      %shift_right_arithmetic3A_234 = arith.constant 5 : i32
      %shift_right_arithmetic3A_235 = arith.shrsi %add3A_233, %shift_right_arithmetic3A_234 : i32
      %and3A_236 = arith.constant 31 : i32
      %and3A_237 = arith.andi %add3A_233, %and3A_236 : i32
      %mul3A_238 = arith.constant 16 : i32
      %mul3A_239 = arith.muli %and3A_237, %mul3A_238 : i32
      %get3A_240 = arith.index_cast %shift_right_arithmetic3A_235 : i32 to index
      %get3A_241 = arith.index_cast %mul3A_239 : i32 to index
      %get3A_242 = tpu.vector_load %arg4[%get3A_240, %get3A_241] {strides = array<i32>} : memref<64x512xi32, #tpu.memory_space<vmem>>, vector<16xi32>,
      tpu.vector_store_idx %arg6[%get3A_242], %broadcast_in_dim3A_3 {add = true} : memref<4096xf32, #tpu.memory_space<vmem>>[vector<16xi32>], vector<16xf32>,
      %scan3A_243 = arith.constant 0 : i32
      scf.yield %scan3A_243 : i32
    }
    %scan3A_176 = arith.constant 512 : i32
    %dma_wait3A_177 = arith.constant 448 : i32
    %dma_wait3A_178 = arith.constant 0 : i32
    %dma_wait3A_179 = tpu.memref_slice %arg2[%add3A, %dma_wait3A_177, %dma_wait3A_178] : memref<32x512x512xi32, #tpu.memory_space<hbm>> -> memref<1x64x512xi32, #tpu.memory_space<hbm>>
    %dma_wait3A_180 = tpu.memref_squeeze %dma_wait3A_179 : memref<1x64x512xi32, #tpu.memory_space<hbm>> -> memref<64x512xi32, #tpu.memory_space<hbm>>
    %dma_wait3A_181 = arith.constant 448 : i32
    %dma_wait3A_182 = arith.constant 0 : i32
    %dma_wait3A_183 = tpu.memref_slice %arg2[%add3A, %dma_wait3A_181, %dma_wait3A_182] : memref<32x512x512xi32, #tpu.memory_space<hbm>> -> memref<1x64x512xi32, #tpu.memory_space<hbm>>
    %dma_wait3A_184 = tpu.memref_squeeze %dma_wait3A_183 : memref<1x64x512xi32, #tpu.memory_space<hbm>> -> memref<64x512xi32, #tpu.memory_space<hbm>>
    tpu.wait_dma2 semaphore(%arg8 : memref<!tpu.dma_semaphore, #tpu.memory_space<semaphore_mem>>) src(%dma_wait3A_184 : memref<64x512xi32, #tpu.memory_space<hbm>>) dst(%arg5 : memref<64x512xi32, #tpu.memory_space<vmem>>)
    %scan3A_185 = arith.constant 0 : i32
    %scan3A_186 = arith.constant 0 : i32
    %scan3A_187 = arith.constant 512 : i32
    %scan3A_188 = arith.addi %scan3A_186, %scan3A_187 : i32
    %scan3A_189 = arith.constant 1 : i32
    %scan3A_190 = scf.for %scan3A_192 = %scan3A_186 to %scan3A_188 step %scan3A_189 iter_args(%scan3A_193 = %scan3A_185) -> (i32)  : i32 {
      %mul3A_194 = arith.constant 4 : i32
      %mul3A_195 = arith.muli %scan3A_192, %mul3A_194 : i32
      %add3A_196 = arith.constant 0 : i32
      %add3A_197 = arith.addi %mul3A_195, %add3A_196 : i32
      %shift_right_arithmetic3A = arith.constant 5 : i32
      %shift_right_arithmetic3A_198 = arith.shrsi %add3A_197, %shift_right_arithmetic3A : i32
      %and3A = arith.constant 31 : i32
      %and3A_199 = arith.andi %add3A_197, %and3A : i32
      %mul3A_200 = arith.constant 16 : i32
      %mul3A_201 = arith.muli %and3A_199, %mul3A_200 : i32
      %get3A = arith.index_cast %shift_right_arithmetic3A_198 : i32 to index
      %get3A_202 = arith.index_cast %mul3A_201 : i32 to index
      %get3A_203 = tpu.vector_load %arg5[%get3A, %get3A_202] {strides = array<i32>} : memref<64x512xi32, #tpu.memory_space<vmem>>, vector<16xi32>,
      tpu.vector_store_idx %arg6[%get3A_203], %broadcast_in_dim3A_3 {add = true} : memref<4096xf32, #tpu.memory_space<vmem>>[vector<16xi32>], vector<16xf32>,
      %mul3A_204 = arith.constant 4 : i32
      %mul3A_205 = arith.muli %scan3A_192, %mul3A_204 : i32
      %add3A_206 = arith.constant 1 : i32
      %add3A_207 = arith.addi %mul3A_205, %add3A_206 : i32
      %shift_right_arithmetic3A_208 = arith.constant 5 : i32
      %shift_right_arithmetic3A_209 = arith.shrsi %add3A_207, %shift_right_arithmetic3A_208 : i32
      %and3A_210 = arith.constant 31 : i32
      %and3A_211 = arith.andi %add3A_207, %and3A_210 : i32
      %mul3A_212 = arith.constant 16 : i32
      %mul3A_213 = arith.muli %and3A_211, %mul3A_212 : i32
      %get3A_214 = arith.index_cast %shift_right_arithmetic3A_209 : i32 to index
      %get3A_215 = arith.index_cast %mul3A_213 : i32 to index
      %get3A_216 = tpu.vector_load %arg5[%get3A_214, %get3A_215] {strides = array<i32>} : memref<64x512xi32, #tpu.memory_space<vmem>>, vector<16xi32>,
      tpu.vector_store_idx %arg6[%get3A_216], %broadcast_in_dim3A_3 {add = true} : memref<4096xf32, #tpu.memory_space<vmem>>[vector<16xi32>], vector<16xf32>,
      %mul3A_217 = arith.constant 4 : i32
      %mul3A_218 = arith.muli %scan3A_192, %mul3A_217 : i32
      %add3A_219 = arith.constant 2 : i32
      %add3A_220 = arith.addi %mul3A_218, %add3A_219 : i32
      %shift_right_arithmetic3A_221 = arith.constant 5 : i32
      %shift_right_arithmetic3A_222 = arith.shrsi %add3A_220, %shift_right_arithmetic3A_221 : i32
      %and3A_223 = arith.constant 31 : i32
      %and3A_224 = arith.andi %add3A_220, %and3A_223 : i32
      %mul3A_225 = arith.constant 16 : i32
      %mul3A_226 = arith.muli %and3A_224, %mul3A_225 : i32
      %get3A_227 = arith.index_cast %shift_right_arithmetic3A_222 : i32 to index
      %get3A_228 = arith.index_cast %mul3A_226 : i32 to index
      %get3A_229 = tpu.vector_load %arg5[%get3A_227, %get3A_228] {strides = array<i32>} : memref<64x512xi32, #tpu.memory_space<vmem>>, vector<16xi32>,
      tpu.vector_store_idx %arg6[%get3A_229], %broadcast_in_dim3A_3 {add = true} : memref<4096xf32, #tpu.memory_space<vmem>>[vector<16xi32>], vector<16xf32>,
      %mul3A_230 = arith.constant 4 : i32
      %mul3A_231 = arith.muli %scan3A_192, %mul3A_230 : i32
      %add3A_232 = arith.constant 3 : i32
      %add3A_233 = arith.addi %mul3A_231, %add3A_232 : i32
      %shift_right_arithmetic3A_234 = arith.constant 5 : i32
      %shift_right_arithmetic3A_235 = arith.shrsi %add3A_233, %shift_right_arithmetic3A_234 : i32
      %and3A_236 = arith.constant 31 : i32
      %and3A_237 = arith.andi %add3A_233, %and3A_236 : i32
      %mul3A_238 = arith.constant 16 : i32
      %mul3A_239 = arith.muli %and3A_237, %mul3A_238 : i32
      %get3A_240 = arith.index_cast %shift_right_arithmetic3A_235 : i32 to index
      %get3A_241 = arith.index_cast %mul3A_239 : i32 to index
      %get3A_242 = tpu.vector_load %arg5[%get3A_240, %get3A_241] {strides = array<i32>} : memref<64x512xi32, #tpu.memory_space<vmem>>, vector<16xi32>,
      tpu.vector_store_idx %arg6[%get3A_242], %broadcast_in_dim3A_3 {add = true} : memref<4096xf32, #tpu.memory_space<vmem>>[vector<16xi32>], vector<16xf32>,
      %scan3A_243 = arith.constant 0 : i32
      scf.yield %scan3A_243 : i32
    }
    %scan3A_191 = arith.constant 512 : i32
    "tpu.region"() ({
      %run_scoped3A = tpu.sem_alloc : memref<!tpu.dma_semaphore, #tpu.memory_space<semaphore_mem>>
      %dma_start3A_192 = arith.constant 0 : i32
      %dma_start3A_193 = tpu.memref_slice %arg3[%add3A, %dma_start3A_192] : memref<32x4096xf32, #tpu.memory_space<hbm>> -> memref<1x4096xf32, #tpu.memory_space<hbm>>
      %dma_start3A_194 = tpu.memref_squeeze %dma_start3A_193 : memref<1x4096xf32, #tpu.memory_space<hbm>> -> memref<4096xf32, #tpu.memory_space<hbm>>
      %dma_start3A_195 = arith.constant 0 : i32
      %dma_start3A_196 = tpu.memref_slice %arg3[%add3A, %dma_start3A_195] : memref<32x4096xf32, #tpu.memory_space<hbm>> -> memref<1x4096xf32, #tpu.memory_space<hbm>>
      %dma_start3A_197 = tpu.memref_squeeze %dma_start3A_196 : memref<1x4096xf32, #tpu.memory_space<hbm>> -> memref<4096xf32, #tpu.memory_space<hbm>>
      tpu.enqueue_dma source(%arg6 : memref<4096xf32, #tpu.memory_space<vmem>>) target(%dma_start3A_197 : memref<4096xf32, #tpu.memory_space<hbm>>) target_semaphore(%run_scoped3A : memref<!tpu.dma_semaphore, #tpu.memory_space<semaphore_mem>>)
      %dma_wait3A_198 = arith.constant 0 : i32
      %dma_wait3A_199 = tpu.memref_slice %arg3[%add3A, %dma_wait3A_198] : memref<32x4096xf32, #tpu.memory_space<hbm>> -> memref<1x4096xf32, #tpu.memory_space<hbm>>
      %dma_wait3A_200 = tpu.memref_squeeze %dma_wait3A_199 : memref<1x4096xf32, #tpu.memory_space<hbm>> -> memref<4096xf32, #tpu.memory_space<hbm>>
      %dma_wait3A_201 = arith.constant 0 : i32
      %dma_wait3A_202 = tpu.memref_slice %arg3[%add3A, %dma_wait3A_201] : memref<32x4096xf32, #tpu.memory_space<hbm>> -> memref<1x4096xf32, #tpu.memory_space<hbm>>
      %dma_wait3A_203 = tpu.memref_squeeze %dma_wait3A_202 : memref<1x4096xf32, #tpu.memory_space<hbm>> -> memref<4096xf32, #tpu.memory_space<hbm>>
      tpu.wait_dma2 semaphore(%run_scoped3A : memref<!tpu.dma_semaphore, #tpu.memory_space<semaphore_mem>>) src(%arg6 : memref<4096xf32, #tpu.memory_space<vmem>>) dst(%dma_wait3A_203 : memref<4096xf32, #tpu.memory_space<hbm>>)
      tpu.yield
    }) : () -> ()
    return
  }
}

module attributes {stable_mosaic.version = 14 : i64} {
  func.func @_stage_a(%arg0: i32, %arg1: memref<1x512x1536xf32, #tpu.memory_space<vmem>>, %arg2: memref<1536x512xbf16, #tpu.memory_space<vmem>>, %arg3: memref<1x512x512xf32, #tpu.memory_space<vmem>>, %arg4: memref<1x512x512xi32, #tpu.memory_space<vmem>>, %arg5: memref<1x8x128xf32, #tpu.memory_space<vmem>>) attributes {dimension_semantics = [#tpu.dimension_semantics<arbitrary>], iteration_bounds = array<i64: 32>, scalar_prefetch = 0 : i64, scratch_operands = 0 : i64, tpu.core_type = #tpu.core_type<tc>, window_params = [{transform_indices = @transform_0, window_bounds = array<i64: 1, 512, 1536>}, {pipeline_mode = #tpu.pipeline_mode<synchronous>, transform_indices = @transform_1, window_bounds = array<i64: 1536, 512>}, {transform_indices = @transform_2, window_bounds = array<i64: 1, 512, 512>}, {transform_indices = @transform_3, window_bounds = array<i64: 1, 512, 512>}, {transform_indices = @transform_4, window_bounds = array<i64: 1, 8, 128>}]} {
    %get3A = arith.constant 0 : index
    %get3A_0 = arith.constant 0 : index
    %get3A_1 = arith.constant 0 : index
    %get3A_2 = vector.load %arg1[%get3A, %get3A_0, %get3A_1] : memref<1x512x1536xf32, #tpu.memory_space<vmem>>, vector<1x512x1536xf32>
    %get3A_3 = vector.shape_cast %get3A_2 : vector<1x512x1536xf32> to vector<512x1536xf32>
    %convert_element_type3A = arith.truncf %get3A_3 : vector<512x1536xf32> to vector<512x1536xbf16>
    %get3A_4 = arith.constant 0 : index
    %get3A_5 = arith.constant 0 : index
    %get3A_6 = vector.load %arg2[%get3A_4, %get3A_5] : memref<1536x512xbf16, #tpu.memory_space<vmem>>, vector<1536x512xbf16>
    %dot_general3A = arith.constant dense<0.000000e+00> : vector<512x512xf32>
    %dot_general3A_7 = tpu.matmul %convert_element_type3A, %get3A_6, %dot_general3A {dimension_numbers = #tpu.dot_dimension_numbers<[1], [0], [0], [1], [0, 0, 1, 1], [], []>, transpose_lhs_hint = false} : vector<512x1536xbf16>, vector<1536x512xbf16>, vector<512x512xf32> -> vector<512x512xf32>
    %swap3A = arith.constant 0 : index
    %swap3A_8 = arith.constant 0 : index
    %swap3A_9 = arith.constant 0 : index
    %swap3A_10 = vector.load %arg3[%swap3A, %swap3A_8, %swap3A_9] : memref<1x512x512xf32, #tpu.memory_space<vmem>>, vector<1x512x512xf32>
    %swap3A_11 = vector.shape_cast %swap3A_10 : vector<1x512x512xf32> to vector<512x512xf32>
    %swap3A_12 = vector.shape_cast %dot_general3A_7 : vector<512x512xf32> to vector<1x512x512xf32>
    tpu.vector_store %arg3[%swap3A, %swap3A_8, %swap3A_9], %swap3A_12 {strides = array<i32>} : memref<1x512x512xf32, #tpu.memory_space<vmem>>, vector<1x512x512xf32>,
    %reduce_min3A = vector.shape_cast %dot_general3A_7 : vector<512x512xf32> to vector<1x512x512xf32>
    %reduce_min3A_13 = arith.constant dense<0x7F800000> : vector<1xf32>
    %reduce_min3A_14 = vector.multi_reduction <minimumf>, %reduce_min3A, %reduce_min3A_13 [1, 2] : vector<1x512x512xf32> to vector<1xf32>
    %reduce_min3A_15 = vector.shape_cast %reduce_min3A_14 : vector<1xf32> to vector<1x1x1xf32>
    %reduce_min3A_16 = vector.extract %reduce_min3A_15[0, 0, 0] : f32 from vector<1x1x1xf32>
    %reduce_max3A = vector.shape_cast %dot_general3A_7 : vector<512x512xf32> to vector<1x512x512xf32>
    %reduce_max3A_17 = arith.constant dense<0xFF800000> : vector<1xf32>
    %reduce_max3A_18 = vector.multi_reduction <maximumf>, %reduce_max3A, %reduce_max3A_17 [1, 2] : vector<1x512x512xf32> to vector<1xf32>
    %reduce_max3A_19 = vector.shape_cast %reduce_max3A_18 : vector<1xf32> to vector<1x1x1xf32>
    %reduce_max3A_20 = vector.extract %reduce_max3A_19[0, 0, 0] : f32 from vector<1x1x1xf32>
    %sub3A = arith.subf %reduce_max3A_20, %reduce_min3A_16 : f32
    %broadcast_in_dim3A = vector.broadcast %sub3A : f32 to vector<8x128xf32>
    %max3A = arith.constant 9.99999996E-13 : f32
    %max3A_21 = vector.broadcast %max3A : f32 to vector<8x128xf32>
    %max3A_22 = arith.maximumf %broadcast_in_dim3A, %max3A_21 : vector<8x128xf32>
    %div3A = arith.constant 2.560000e+02 : f32
    %div3A_23 = vector.broadcast %div3A : f32 to vector<8x128xf32>
    %div3A_24 = arith.divf %div3A_23, %max3A_22 : vector<8x128xf32>
    %reduce_max3A_25 = vector.shape_cast %div3A_24 : vector<8x128xf32> to vector<1x8x128xf32>
    %reduce_max3A_26 = arith.constant dense<0xFF800000> : vector<1xf32>
    %reduce_max3A_27 = vector.multi_reduction <maximumf>, %reduce_max3A_25, %reduce_max3A_26 [1, 2] : vector<1x8x128xf32> to vector<1xf32>
    %reduce_max3A_28 = vector.shape_cast %reduce_max3A_27 : vector<1xf32> to vector<1x1x1xf32>
    %reduce_max3A_29 = vector.extract %reduce_max3A_28[0, 0, 0] : f32 from vector<1x1x1xf32>
    %sub3A_30 = vector.broadcast %reduce_min3A_16 : f32 to vector<512x512xf32>
    %sub3A_31 = arith.subf %dot_general3A_7, %sub3A_30 : vector<512x512xf32>
    %mul3A = vector.broadcast %reduce_max3A_29 : f32 to vector<512x512xf32>
    %mul3A_32 = arith.mulf %sub3A_31, %mul3A : vector<512x512xf32>
    %convert_element_type3A_33 = arith.fptosi %mul3A_32 : vector<512x512xf32> to vector<512x512xi32>
    %jit3A = arith.constant 0 : i32
    %jit3A_34 = arith.constant 255 : i32
    %max3A_35 = vector.broadcast %jit3A : i32 to vector<512x512xi32>
    %max3A_36 = arith.maxsi %max3A_35, %convert_element_type3A_33 : vector<512x512xi32>
    %min3A = vector.broadcast %jit3A_34 : i32 to vector<512x512xi32>
    %min3A_37 = arith.minsi %min3A, %max3A_36 : vector<512x512xi32>
    %iota3A = tpu.iota {dimensions = array<i32: 1>} : vector<512x512xi32>
    %and3A = arith.constant 15 : i32
    %and3A_38 = vector.broadcast %and3A : i32 to vector<512x512xi32>
    %and3A_39 = arith.andi %iota3A, %and3A_38 : vector<512x512xi32>
    %shift_left3A = arith.constant 8 : i32
    %shift_left3A_40 = vector.broadcast %shift_left3A : i32 to vector<512x512xi32>
    %shift_left3A_41 = arith.shli %and3A_39, %shift_left3A_40 : vector<512x512xi32>
    %add3A = arith.addi %min3A_37, %shift_left3A_41 : vector<512x512xi32>
    %swap3A_42 = arith.constant 0 : index
    %swap3A_43 = arith.constant 0 : index
    %swap3A_44 = arith.constant 0 : index
    %swap3A_45 = vector.load %arg4[%swap3A_42, %swap3A_43, %swap3A_44] : memref<1x512x512xi32, #tpu.memory_space<vmem>>, vector<1x512x512xi32>
    %swap3A_46 = vector.shape_cast %swap3A_45 : vector<1x512x512xi32> to vector<512x512xi32>
    %swap3A_47 = vector.shape_cast %add3A : vector<512x512xi32> to vector<1x512x512xi32>
    tpu.vector_store %arg4[%swap3A_42, %swap3A_43, %swap3A_44], %swap3A_47 {strides = array<i32>} : memref<1x512x512xi32, #tpu.memory_space<vmem>>, vector<1x512x512xi32>,
    %iota3A_48 = tpu.iota {dimensions = array<i32: 1>} : vector<8x128xi32>
    %eq3A = arith.constant 0 : i32
    %eq3A_49 = vector.broadcast %eq3A : i32 to vector<8x128xi32>
    %eq3A_50 = arith.cmpi eq, %iota3A_48, %eq3A_49 : vector<8x128xi32>
    %eq3A_51 = arith.constant 1 : i32
    %eq3A_52 = vector.broadcast %eq3A_51 : i32 to vector<8x128xi32>
    %eq3A_53 = arith.cmpi eq, %iota3A_48, %eq3A_52 : vector<8x128xi32>
    %jit3A_54 = arith.constant 0.000000e+00 : f32
    %broadcast_in_dim3A_55 = vector.broadcast %reduce_max3A_20 : f32 to vector<8x128xf32>
    %broadcast_in_dim3A_56 = vector.broadcast %jit3A_54 : f32 to vector<8x128xf32>
    %select_n3A = arith.select %eq3A_53, %broadcast_in_dim3A_55, %broadcast_in_dim3A_56 : vector<8x128xi1>, vector<8x128xf32>
    %broadcast_in_dim3A_57 = vector.broadcast %reduce_min3A_16 : f32 to vector<8x128xf32>
    %select_n3A_58 = arith.select %eq3A_50, %broadcast_in_dim3A_57, %select_n3A : vector<8x128xi1>, vector<8x128xf32>
    %swap3A_59 = arith.constant 0 : index
    %swap3A_60 = arith.constant 0 : index
    %swap3A_61 = arith.constant 0 : index
    %swap3A_62 = vector.load %arg5[%swap3A_59, %swap3A_60, %swap3A_61] : memref<1x8x128xf32, #tpu.memory_space<vmem>>, vector<1x8x128xf32>
    %swap3A_63 = vector.shape_cast %swap3A_62 : vector<1x8x128xf32> to vector<8x128xf32>
    %swap3A_64 = vector.shape_cast %select_n3A_58 : vector<8x128xf32> to vector<1x8x128xf32>
    tpu.vector_store %arg5[%swap3A_59, %swap3A_60, %swap3A_61], %swap3A_64 {strides = array<i32>} : memref<1x8x128xf32, #tpu.memory_space<vmem>>, vector<1x8x128xf32>,
    return
  }
  func.func @transform_0(%arg0: i32) -> (i32, i32, i32) {
    %c0_i32 = arith.constant 0 : i32
    %c0_i32_0 = arith.constant 0 : i32
    %c0_i32_1 = arith.constant 0 : i32
    return %arg0, %c0_i32, %c0_i32_0 : i32, i32, i32
  }
  func.func @transform_1(%arg0: i32) -> (i32, i32) {
    %c0_i32 = arith.constant 0 : i32
    %c0_i32_0 = arith.constant 0 : i32
    %c0_i32_1 = arith.constant 0 : i32
    return %c0_i32, %c0_i32_0 : i32, i32
  }
  func.func @transform_2(%arg0: i32) -> (i32, i32, i32) {
    %c0_i32 = arith.constant 0 : i32
    %c0_i32_0 = arith.constant 0 : i32
    %c0_i32_1 = arith.constant 0 : i32
    return %arg0, %c0_i32, %c0_i32_0 : i32, i32, i32
  }
  func.func @transform_3(%arg0: i32) -> (i32, i32, i32) {
    %c0_i32 = arith.constant 0 : i32
    %c0_i32_0 = arith.constant 0 : i32
    %c0_i32_1 = arith.constant 0 : i32
    return %arg0, %c0_i32, %c0_i32_0 : i32, i32, i32
  }
  func.func @transform_4(%arg0: i32) -> (i32, i32, i32) {
    %c0_i32 = arith.constant 0 : i32
    %c0_i32_0 = arith.constant 0 : i32
    %c0_i32_1 = arith.constant 0 : i32
    return %arg0, %c0_i32, %c0_i32_0 : i32, i32, i32
  }
}

module attributes {stable_mosaic.version = 14 : i64} {
  func.func @_stage_c1(%arg0: i32, %arg1: memref<32x4096xf32, #tpu.memory_space<vmem>>, %arg2: memref<32x8x128xf32, #tpu.memory_space<vmem>>, %arg3: memref<32x8x128xf32, #tpu.memory_space<vmem>>) attributes {dimension_semantics = [#tpu.dimension_semantics<arbitrary>], iteration_bounds = array<i64: 1>, scalar_prefetch = 0 : i64, scratch_operands = 0 : i64, tpu.core_type = #tpu.core_type<tc>, window_params = [{pipeline_mode = #tpu.pipeline_mode<synchronous>, transform_indices = @transform_0, window_bounds = array<i64: 32, 4096>}, {pipeline_mode = #tpu.pipeline_mode<synchronous>, transform_indices = @transform_1, window_bounds = array<i64: 32, 8, 128>}, {pipeline_mode = #tpu.pipeline_mode<synchronous>, transform_indices = @transform_2, window_bounds = array<i64: 32, 8, 128>}]} {
    %get3A = arith.constant 0 : index
    %get3A_0 = arith.constant 0 : index
    %get3A_1 = vector.load %arg1[%get3A, %get3A_0] : memref<32x4096xf32, #tpu.memory_space<vmem>>, vector<32x4096xf32>
    %broadcast_in_dim3A = arith.constant 0.000000e+00 : f32
    %broadcast_in_dim3A_2 = vector.broadcast %broadcast_in_dim3A : f32 to vector<32x256xf32>
    %slice3A = vector.extract_strided_slice %get3A_1 {offsets = [0, 0], sizes = [32, 256], strides = [1, 1]} : vector<32x4096xf32> to vector<32x256xf32>
    %add3A = arith.addf %broadcast_in_dim3A_2, %slice3A : vector<32x256xf32>
    %slice3A_3 = vector.extract_strided_slice %get3A_1 {offsets = [0, 256], sizes = [32, 256], strides = [1, 1]} : vector<32x4096xf32> to vector<32x256xf32>
    %add3A_4 = arith.addf %add3A, %slice3A_3 : vector<32x256xf32>
    %slice3A_5 = vector.extract_strided_slice %get3A_1 {offsets = [0, 512], sizes = [32, 256], strides = [1, 1]} : vector<32x4096xf32> to vector<32x256xf32>
    %add3A_6 = arith.addf %add3A_4, %slice3A_5 : vector<32x256xf32>
    %slice3A_7 = vector.extract_strided_slice %get3A_1 {offsets = [0, 768], sizes = [32, 256], strides = [1, 1]} : vector<32x4096xf32> to vector<32x256xf32>
    %add3A_8 = arith.addf %add3A_6, %slice3A_7 : vector<32x256xf32>
    %slice3A_9 = vector.extract_strided_slice %get3A_1 {offsets = [0, 1024], sizes = [32, 256], strides = [1, 1]} : vector<32x4096xf32> to vector<32x256xf32>
    %add3A_10 = arith.addf %add3A_8, %slice3A_9 : vector<32x256xf32>
    %slice3A_11 = vector.extract_strided_slice %get3A_1 {offsets = [0, 1280], sizes = [32, 256], strides = [1, 1]} : vector<32x4096xf32> to vector<32x256xf32>
    %add3A_12 = arith.addf %add3A_10, %slice3A_11 : vector<32x256xf32>
    %slice3A_13 = vector.extract_strided_slice %get3A_1 {offsets = [0, 1536], sizes = [32, 256], strides = [1, 1]} : vector<32x4096xf32> to vector<32x256xf32>
    %add3A_14 = arith.addf %add3A_12, %slice3A_13 : vector<32x256xf32>
    %slice3A_15 = vector.extract_strided_slice %get3A_1 {offsets = [0, 1792], sizes = [32, 256], strides = [1, 1]} : vector<32x4096xf32> to vector<32x256xf32>
    %add3A_16 = arith.addf %add3A_14, %slice3A_15 : vector<32x256xf32>
    %slice3A_17 = vector.extract_strided_slice %get3A_1 {offsets = [0, 2048], sizes = [32, 256], strides = [1, 1]} : vector<32x4096xf32> to vector<32x256xf32>
    %add3A_18 = arith.addf %add3A_16, %slice3A_17 : vector<32x256xf32>
    %slice3A_19 = vector.extract_strided_slice %get3A_1 {offsets = [0, 2304], sizes = [32, 256], strides = [1, 1]} : vector<32x4096xf32> to vector<32x256xf32>
    %add3A_20 = arith.addf %add3A_18, %slice3A_19 : vector<32x256xf32>
    %slice3A_21 = vector.extract_strided_slice %get3A_1 {offsets = [0, 2560], sizes = [32, 256], strides = [1, 1]} : vector<32x4096xf32> to vector<32x256xf32>
    %add3A_22 = arith.addf %add3A_20, %slice3A_21 : vector<32x256xf32>
    %slice3A_23 = vector.extract_strided_slice %get3A_1 {offsets = [0, 2816], sizes = [32, 256], strides = [1, 1]} : vector<32x4096xf32> to vector<32x256xf32>
    %add3A_24 = arith.addf %add3A_22, %slice3A_23 : vector<32x256xf32>
    %slice3A_25 = vector.extract_strided_slice %get3A_1 {offsets = [0, 3072], sizes = [32, 256], strides = [1, 1]} : vector<32x4096xf32> to vector<32x256xf32>
    %add3A_26 = arith.addf %add3A_24, %slice3A_25 : vector<32x256xf32>
    %slice3A_27 = vector.extract_strided_slice %get3A_1 {offsets = [0, 3328], sizes = [32, 256], strides = [1, 1]} : vector<32x4096xf32> to vector<32x256xf32>
    %add3A_28 = arith.addf %add3A_26, %slice3A_27 : vector<32x256xf32>
    %slice3A_29 = vector.extract_strided_slice %get3A_1 {offsets = [0, 3584], sizes = [32, 256], strides = [1, 1]} : vector<32x4096xf32> to vector<32x256xf32>
    %add3A_30 = arith.addf %add3A_28, %slice3A_29 : vector<32x256xf32>
    %slice3A_31 = vector.extract_strided_slice %get3A_1 {offsets = [0, 3840], sizes = [32, 256], strides = [1, 1]} : vector<32x4096xf32> to vector<32x256xf32>
    %add3A_32 = arith.addf %add3A_30, %slice3A_31 : vector<32x256xf32>
    %get3A_33 = arith.constant 0 : index
    %get3A_34 = arith.constant 0 : index
    %get3A_35 = arith.constant 0 : index
    %get3A_36 = vector.load %arg2[%get3A_33, %get3A_34, %get3A_35] : memref<32x8x128xf32, #tpu.memory_space<vmem>>, vector<32x8x128xf32>
    %slice3A_37 = vector.extract_strided_slice %get3A_36 {offsets = [0, 0, 0], sizes = [32, 1, 128], strides = [1, 1, 1]} : vector<32x8x128xf32> to vector<32x1x128xf32>
    %squeeze3A = vector.shape_cast %slice3A_37 : vector<32x1x128xf32> to vector<32x128xf32>
    %slice3A_38 = vector.extract_strided_slice %squeeze3A {offsets = [0, 0], sizes = [32, 1], strides = [1, 1]} : vector<32x128xf32> to vector<32x1xf32>
    %slice3A_39 = vector.extract_strided_slice %squeeze3A {offsets = [0, 1], sizes = [32, 1], strides = [1, 1]} : vector<32x128xf32> to vector<32x1xf32>
    %sub3A = arith.subf %slice3A_39, %slice3A_38 : vector<32x1xf32>
    %max3A = arith.constant 9.99999996E-13 : f32
    %max3A_40 = vector.broadcast %max3A : f32 to vector<32x1xf32>
    %max3A_41 = arith.maximumf %sub3A, %max3A_40 : vector<32x1xf32>
    %div3A = arith.constant 2.560000e+02 : f32
    %div3A_42 = vector.broadcast %div3A : f32 to vector<32x1xf32>
    %div3A_43 = arith.divf %div3A_42, %max3A_41 : vector<32x1xf32>
    %iota3A = tpu.iota {dimensions = array<i32: 1>} : vector<1x256xi32>
    %convert_element_type3A = arith.sitofp %iota3A : vector<1x256xi32> to vector<1x256xf32>
    %add3A_44 = arith.constant 5.000000e-01 : f32
    %add3A_45 = vector.broadcast %add3A_44 : f32 to vector<1x256xf32>
    %add3A_46 = arith.addf %convert_element_type3A, %add3A_45 : vector<1x256xf32>
    %div3A_47 = vector.broadcast %add3A_46 : vector<1x256xf32> to vector<32x256xf32>
    %div3A_48 = vector.broadcast %div3A_43 : vector<32x1xf32> to vector<32x256xf32>
    %div3A_49 = arith.divf %div3A_47, %div3A_48 : vector<32x256xf32>
    %add3A_50 = vector.broadcast %slice3A_38 : vector<32x1xf32> to vector<32x256xf32>
    %add3A_51 = arith.addf %add3A_50, %div3A_49 : vector<32x256xf32>
    %mul3A = arith.mulf %add3A_32, %add3A_51 : vector<32x256xf32>
    %iota3A_52 = tpu.iota {dimensions = array<i32: 0>} : vector<256x256xi32>
    %iota3A_53 = tpu.iota {dimensions = array<i32: 1>} : vector<256x256xi32>
    %le3A = arith.cmpi sle, %iota3A_52, %iota3A_53 : vector<256x256xi32>
    %convert_element_type3A_54 = arith.extui %le3A : vector<256x256xi1> to vector<256x256xi32>
    %convert_element_type3A_55 = arith.sitofp %convert_element_type3A_54 : vector<256x256xi32> to vector<256x256xf32>
    %dot_general3A = arith.constant dense<0.000000e+00> : vector<32x256xf32>
    %dot_general3A_56 = tpu.matmul %add3A_32, %convert_element_type3A_55, %dot_general3A {dimension_numbers = #tpu.dot_dimension_numbers<[1], [0], [0], [1], [0, 0, 1, 1], [], []>, precision = #tpu.contract_precision<fp32>, transpose_lhs_hint = false} : vector<32x256xf32>, vector<256x256xf32>, vector<32x256xf32> -> vector<32x256xf32>
    %broadcast_in_dim3A_57 = arith.constant 0.000000e+00 : f32
    %broadcast_in_dim3A_58 = vector.broadcast %broadcast_in_dim3A_57 : f32 to vector<32x1xf32>
    %broadcast_in_dim3A_59 = arith.constant 0.000000e+00 : f32
    %broadcast_in_dim3A_60 = vector.broadcast %broadcast_in_dim3A_59 : f32 to vector<32x256xf32>
    %scan3A = arith.constant 0 : i32
    %scan3A_61 = arith.constant 256 : i32
    %scan3A_62 = arith.addi %scan3A, %scan3A_61 : i32
    %scan3A_63 = arith.constant 1 : i32
    %scan3A_64:3 = scf.for %scan3A_132 = %scan3A to %scan3A_62 step %scan3A_63 iter_args(%scan3A_133 = %broadcast_in_dim3A_58, %scan3A_134 = %broadcast_in_dim3A_58, %scan3A_135 = %broadcast_in_dim3A_60) -> (vector<32x1xf32>, vector<32x1xf32>, vector<32x256xf32>)  : i32 {
      %eq3A_136 = vector.broadcast %scan3A_132 : i32 to vector<1x256xi32>
      %eq3A_137 = arith.cmpi eq, %iota3A, %eq3A_136 : vector<1x256xi32>
      %jit3A_138 = arith.constant 0.000000e+00 : f32
      %broadcast_in_dim3A_139 = vector.shape_cast %eq3A_137 : vector<1x256xi1> to vector<1x256xi1>
      %broadcast_in_dim3A_140 = vector.broadcast %broadcast_in_dim3A_139 : vector<1x256xi1> to vector<32x256xi1>
      %broadcast_in_dim3A_141 = vector.broadcast %jit3A_138 : f32 to vector<32x256xf32>
      %select_n3A_142 = arith.select %broadcast_in_dim3A_140, %mul3A, %broadcast_in_dim3A_141 : vector<32x256xi1>, vector<32x256xf32>
      %reduce_sum3A_143 = arith.constant dense<0.000000e+00> : vector<32xf32>
      %reduce_sum3A_144 = vector.multi_reduction <add>, %select_n3A_142, %reduce_sum3A_143 [1] : vector<32x256xf32> to vector<32xf32>
      %broadcast_in_dim3A_145 = vector.shape_cast %reduce_sum3A_144 : vector<32xf32> to vector<32x1xf32>
      %lt3A_146 = arith.constant 128 : i32
      %lt3A_147 = arith.cmpi slt, %scan3A_132, %lt3A_146 : i32
      %add3A_148 = arith.addf %scan3A_133, %broadcast_in_dim3A_145 : vector<32x1xf32>
      %select_n3A_149 = arith.select %lt3A_147, %add3A_148, %scan3A_133 : vector<32x1xf32>
      %add3A_150 = arith.addf %scan3A_134, %broadcast_in_dim3A_145 : vector<32x1xf32>
      %select_n3A_151 = arith.select %lt3A_147, %scan3A_134, %add3A_150 : vector<32x1xf32>
      %add3A_152 = arith.addf %select_n3A_151, %select_n3A_149 : vector<32x1xf32>
      %select_n3A_153 = arith.select %lt3A_147, %select_n3A_149, %add3A_152 : vector<32x1xf32>
      %eq3A_154 = vector.broadcast %scan3A_132 : i32 to vector<1x256xi32>
      %eq3A_155 = arith.cmpi eq, %iota3A, %eq3A_154 : vector<1x256xi32>
      %jit3A_156 = arith.constant 0.000000e+00 : f32
      %broadcast_in_dim3A_157 = vector.shape_cast %eq3A_155 : vector<1x256xi1> to vector<1x256xi1>
      %broadcast_in_dim3A_158 = vector.broadcast %broadcast_in_dim3A_157 : vector<1x256xi1> to vector<32x256xi1>
      %broadcast_in_dim3A_159 = vector.shape_cast %select_n3A_153 : vector<32x1xf32> to vector<32x1xf32>
      %broadcast_in_dim3A_160 = vector.broadcast %broadcast_in_dim3A_159 : vector<32x1xf32> to vector<32x256xf32>
      %broadcast_in_dim3A_161 = vector.broadcast %jit3A_156 : f32 to vector<32x256xf32>
      %select_n3A_162 = arith.select %broadcast_in_dim3A_158, %broadcast_in_dim3A_160, %broadcast_in_dim3A_161 : vector<32x256xi1>, vector<32x256xf32>
      %add3A_163 = arith.addf %scan3A_135, %select_n3A_162 : vector<32x256xf32>
      scf.yield %select_n3A_149, %select_n3A_151, %add3A_163 : vector<32x1xf32>, vector<32x1xf32>, vector<32x256xf32>
    }
    %scan3A_65 = arith.constant 256 : i32
    %eq3A = arith.constant 255 : i32
    %eq3A_66 = vector.broadcast %eq3A : i32 to vector<1x256xi32>
    %eq3A_67 = arith.cmpi eq, %iota3A, %eq3A_66 : vector<1x256xi32>
    %jit3A = arith.constant 0.000000e+00 : f32
    %broadcast_in_dim3A_68 = vector.shape_cast %eq3A_67 : vector<1x256xi1> to vector<1x256xi1>
    %broadcast_in_dim3A_69 = vector.broadcast %broadcast_in_dim3A_68 : vector<1x256xi1> to vector<32x256xi1>
    %broadcast_in_dim3A_70 = vector.broadcast %jit3A : f32 to vector<32x256xf32>
    %select_n3A = arith.select %broadcast_in_dim3A_69, %dot_general3A_56, %broadcast_in_dim3A_70 : vector<32x256xi1>, vector<32x256xf32>
    %reduce_sum3A = arith.constant dense<0.000000e+00> : vector<32xf32>
    %reduce_sum3A_71 = vector.multi_reduction <add>, %select_n3A, %reduce_sum3A [1] : vector<32x256xf32> to vector<32xf32>
    %broadcast_in_dim3A_72 = vector.shape_cast %reduce_sum3A_71 : vector<32xf32> to vector<32x1xf32>
    %eq3A_73 = arith.constant 255 : i32
    %eq3A_74 = vector.broadcast %eq3A_73 : i32 to vector<1x256xi32>
    %eq3A_75 = arith.cmpi eq, %iota3A, %eq3A_74 : vector<1x256xi32>
    %jit3A_76 = arith.constant 0.000000e+00 : f32
    %broadcast_in_dim3A_77 = vector.shape_cast %eq3A_75 : vector<1x256xi1> to vector<1x256xi1>
    %broadcast_in_dim3A_78 = vector.broadcast %broadcast_in_dim3A_77 : vector<1x256xi1> to vector<32x256xi1>
    %broadcast_in_dim3A_79 = vector.broadcast %jit3A_76 : f32 to vector<32x256xf32>
    %select_n3A_80 = arith.select %broadcast_in_dim3A_78, %scan3A_64#2, %broadcast_in_dim3A_79 : vector<32x256xi1>, vector<32x256xf32>
    %reduce_sum3A_81 = arith.constant dense<0.000000e+00> : vector<32xf32>
    %reduce_sum3A_82 = vector.multi_reduction <add>, %select_n3A_80, %reduce_sum3A_81 [1] : vector<32x256xf32> to vector<32xf32>
    %broadcast_in_dim3A_83 = vector.shape_cast %reduce_sum3A_82 : vector<32xf32> to vector<32x1xf32>
    %sub3A_84 = vector.broadcast %broadcast_in_dim3A_72 : vector<32x1xf32> to vector<32x256xf32>
    %sub3A_85 = arith.subf %sub3A_84, %dot_general3A_56 : vector<32x256xf32>
    %max3A_86 = arith.constant 9.99999996E-13 : f32
    %max3A_87 = vector.broadcast %max3A_86 : f32 to vector<32x256xf32>
    %max3A_88 = arith.maximumf %dot_general3A_56, %max3A_87 : vector<32x256xf32>
    %div3A_89 = arith.divf %scan3A_64#2, %max3A_88 : vector<32x256xf32>
    %sub3A_90 = vector.broadcast %broadcast_in_dim3A_83 : vector<32x1xf32> to vector<32x256xf32>
    %sub3A_91 = arith.subf %sub3A_90, %scan3A_64#2 : vector<32x256xf32>
    %max3A_92 = arith.constant 9.99999996E-13 : f32
    %max3A_93 = vector.broadcast %max3A_92 : f32 to vector<32x256xf32>
    %max3A_94 = arith.maximumf %sub3A_85, %max3A_93 : vector<32x256xf32>
    %div3A_95 = arith.divf %sub3A_91, %max3A_94 : vector<32x256xf32>
    %mul3A_96 = arith.mulf %dot_general3A_56, %sub3A_85 : vector<32x256xf32>
    %sub3A_97 = arith.subf %div3A_89, %div3A_95 : vector<32x256xf32>
    %integer_pow3A = arith.mulf %sub3A_97, %sub3A_97 : vector<32x256xf32>
    %mul3A_98 = arith.mulf %mul3A_96, %integer_pow3A : vector<32x256xf32>
    %lt3A = arith.constant 255 : i32
    %lt3A_99 = vector.broadcast %lt3A : i32 to vector<1x256xi32>
    %lt3A_100 = arith.cmpi slt, %iota3A, %lt3A_99 : vector<1x256xi32>
    %jit3A_101 = arith.constant 0xFF800000 : f32
    %broadcast_in_dim3A_102 = vector.shape_cast %lt3A_100 : vector<1x256xi1> to vector<1x256xi1>
    %broadcast_in_dim3A_103 = vector.broadcast %broadcast_in_dim3A_102 : vector<1x256xi1> to vector<32x256xi1>
    %broadcast_in_dim3A_104 = vector.broadcast %jit3A_101 : f32 to vector<32x256xf32>
    %select_n3A_105 = arith.select %broadcast_in_dim3A_103, %mul3A_98, %broadcast_in_dim3A_104 : vector<32x256xi1>, vector<32x256xf32>
    %reduce_max3A = arith.constant dense<0xFF800000> : vector<32xf32>
    %reduce_max3A_106 = vector.multi_reduction <maximumf>, %select_n3A_105, %reduce_max3A [1] : vector<32x256xf32> to vector<32xf32>
    %broadcast_in_dim3A_107 = vector.shape_cast %reduce_max3A_106 : vector<32xf32> to vector<32x1xf32>
    %eq3A_108 = vector.broadcast %broadcast_in_dim3A_107 : vector<32x1xf32> to vector<32x256xf32>
    %eq3A_109 = arith.cmpf oeq, %select_n3A_105, %eq3A_108 : vector<32x256xf32>
    %jit3A_110 = arith.constant 2.560000e+02 : f32
    %broadcast_in_dim3A_111 = vector.shape_cast %convert_element_type3A : vector<1x256xf32> to vector<1x256xf32>
    %broadcast_in_dim3A_112 = vector.broadcast %broadcast_in_dim3A_111 : vector<1x256xf32> to vector<32x256xf32>
    %broadcast_in_dim3A_113 = vector.broadcast %jit3A_110 : f32 to vector<32x256xf32>
    %select_n3A_114 = arith.select %eq3A_109, %broadcast_in_dim3A_112, %broadcast_in_dim3A_113 : vector<32x256xi1>, vector<32x256xf32>
    %reduce_min3A = arith.constant dense<0x7F800000> : vector<32xf32>
    %reduce_min3A_115 = vector.multi_reduction <minimumf>, %select_n3A_114, %reduce_min3A [1] : vector<32x256xf32> to vector<32xf32>
    %broadcast_in_dim3A_116 = vector.shape_cast %reduce_min3A_115 : vector<32xf32> to vector<32x1xf32>
    %eq3A_117 = vector.broadcast %convert_element_type3A : vector<1x256xf32> to vector<32x256xf32>
    %eq3A_118 = vector.broadcast %broadcast_in_dim3A_116 : vector<32x1xf32> to vector<32x256xf32>
    %eq3A_119 = arith.cmpf oeq, %eq3A_117, %eq3A_118 : vector<32x256xf32>
    %jit3A_120 = arith.constant 0.000000e+00 : f32
    %broadcast_in_dim3A_121 = vector.broadcast %jit3A_120 : f32 to vector<32x256xf32>
    %select_n3A_122 = arith.select %eq3A_119, %add3A_51, %broadcast_in_dim3A_121 : vector<32x256xi1>, vector<32x256xf32>
    %reduce_sum3A_123 = arith.constant dense<0.000000e+00> : vector<32xf32>
    %reduce_sum3A_124 = vector.multi_reduction <add>, %select_n3A_122, %reduce_sum3A_123 [1] : vector<32x256xf32> to vector<32xf32>
    %broadcast_in_dim3A_125 = vector.shape_cast %reduce_sum3A_124 : vector<32xf32> to vector<32x1xf32>
    %broadcast_in_dim3A_126 = vector.shape_cast %broadcast_in_dim3A_125 : vector<32x1xf32> to vector<32x1x1xf32>
    %broadcast_in_dim3A_127 = vector.shape_cast %broadcast_in_dim3A_126 : vector<32x1x1xf32> to vector<32x1x1xf32>
    %broadcast_in_dim3A_128 = vector.broadcast %broadcast_in_dim3A_127 : vector<32x1x1xf32> to vector<32x8x128xf32>
    %swap3A = arith.constant 0 : index
    %swap3A_129 = arith.constant 0 : index
    %swap3A_130 = arith.constant 0 : index
    %swap3A_131 = vector.load %arg3[%swap3A, %swap3A_129, %swap3A_130] : memref<32x8x128xf32, #tpu.memory_space<vmem>>, vector<32x8x128xf32>
    tpu.vector_store %arg3[%swap3A, %swap3A_129, %swap3A_130], %broadcast_in_dim3A_128 {strides = array<i32>} : memref<32x8x128xf32, #tpu.memory_space<vmem>>, vector<32x8x128xf32>,
    return
  }
  func.func @transform_0(%arg0: i32) -> (i32, i32) {
    %c0_i32 = arith.constant 0 : i32
    %c0_i32_0 = arith.constant 0 : i32
    %c0_i32_1 = arith.constant 0 : i32
    return %c0_i32, %c0_i32_0 : i32, i32
  }
  func.func @transform_1(%arg0: i32) -> (i32, i32, i32) {
    %c0_i32 = arith.constant 0 : i32
    %c0_i32_0 = arith.constant 0 : i32
    %c0_i32_1 = arith.constant 0 : i32
    %c0_i32_2 = arith.constant 0 : i32
    return %c0_i32, %c0_i32_0, %c0_i32_1 : i32, i32, i32
  }
  func.func @transform_2(%arg0: i32) -> (i32, i32, i32) {
    %c0_i32 = arith.constant 0 : i32
    %c0_i32_0 = arith.constant 0 : i32
    %c0_i32_1 = arith.constant 0 : i32
    %c0_i32_2 = arith.constant 0 : i32
    return %c0_i32, %c0_i32_0, %c0_i32_1 : i32, i32, i32
  }
}

module attributes {stable_mosaic.version = 14 : i64} {
  func.func @_stage_c2(%arg0: i32, %arg1: memref<1x512x512xf32, #tpu.memory_space<vmem>>, %arg2: memref<1x8x128xf32, #tpu.memory_space<vmem>>, %arg3: memref<512x1536xf32, #tpu.memory_space<vmem>>, %arg4: memref<1x512x1536xf32, #tpu.memory_space<vmem>>) attributes {dimension_semantics = [#tpu.dimension_semantics<arbitrary>], iteration_bounds = array<i64: 32>, scalar_prefetch = 0 : i64, scratch_operands = 0 : i64, tpu.core_type = #tpu.core_type<tc>, window_params = [{transform_indices = @transform_0, window_bounds = array<i64: 1, 512, 512>}, {transform_indices = @transform_1, window_bounds = array<i64: 1, 8, 128>}, {pipeline_mode = #tpu.pipeline_mode<synchronous>, transform_indices = @transform_2, window_bounds = array<i64: 512, 1536>}, {transform_indices = @transform_3, window_bounds = array<i64: 1, 512, 1536>}]} {
    %get3A = arith.constant 0 : index
    %get3A_0 = arith.constant 0 : index
    %get3A_1 = arith.constant 0 : index
    %get3A_2 = vector.load %arg2[%get3A, %get3A_0, %get3A_1] : memref<1x8x128xf32, #tpu.memory_space<vmem>>, vector<1x8x128xf32>
    %get3A_3 = vector.shape_cast %get3A_2 : vector<1x8x128xf32> to vector<8x128xf32>
    %reduce_max3A = vector.shape_cast %get3A_3 : vector<8x128xf32> to vector<1x8x128xf32>
    %reduce_max3A_4 = arith.constant dense<0xFF800000> : vector<1xf32>
    %reduce_max3A_5 = vector.multi_reduction <maximumf>, %reduce_max3A, %reduce_max3A_4 [1, 2] : vector<1x8x128xf32> to vector<1xf32>
    %reduce_max3A_6 = vector.shape_cast %reduce_max3A_5 : vector<1xf32> to vector<1x1x1xf32>
    %reduce_max3A_7 = vector.extract %reduce_max3A_6[0, 0, 0] : f32 from vector<1x1x1xf32>
    %get3A_8 = arith.constant 0 : index
    %get3A_9 = arith.constant 0 : index
    %get3A_10 = arith.constant 0 : index
    %get3A_11 = vector.load %arg1[%get3A_8, %get3A_9, %get3A_10] : memref<1x512x512xf32, #tpu.memory_space<vmem>>, vector<1x512x512xf32>
    %get3A_12 = vector.shape_cast %get3A_11 : vector<1x512x512xf32> to vector<512x512xf32>
    %gt3A = vector.broadcast %reduce_max3A_7 : f32 to vector<512x512xf32>
    %gt3A_13 = arith.cmpf ogt, %get3A_12, %gt3A : vector<512x512xf32>
    %jit3A = arith.constant 2.550000e+02 : f32
    %jit3A_14 = arith.constant 0.000000e+00 : f32
    %broadcast_in_dim3A = vector.broadcast %jit3A : f32 to vector<512x512xf32>
    %broadcast_in_dim3A_15 = vector.broadcast %jit3A_14 : f32 to vector<512x512xf32>
    %select_n3A = arith.select %gt3A_13, %broadcast_in_dim3A, %broadcast_in_dim3A_15 : vector<512x512xi1>, vector<512x512xf32>
    %get3A_16 = arith.constant 0 : index
    %get3A_17 = arith.constant 0 : index
    %get3A_18 = vector.load %arg3[%get3A_16, %get3A_17] : memref<512x1536xf32, #tpu.memory_space<vmem>>, vector<512x1536xf32>
    %dot_general3A = arith.constant dense<0.000000e+00> : vector<512x1536xf32>
    %dot_general3A_19 = tpu.matmul %select_n3A, %get3A_18, %dot_general3A {dimension_numbers = #tpu.dot_dimension_numbers<[1], [0], [0], [1], [0, 0, 1, 1], [], []>, transpose_lhs_hint = false} : vector<512x512xf32>, vector<512x1536xf32>, vector<512x1536xf32> -> vector<512x1536xf32>
    %swap3A = arith.constant 0 : index
    %swap3A_20 = arith.constant 0 : index
    %swap3A_21 = arith.constant 0 : index
    %swap3A_22 = vector.load %arg4[%swap3A, %swap3A_20, %swap3A_21] : memref<1x512x1536xf32, #tpu.memory_space<vmem>>, vector<1x512x1536xf32>
    %swap3A_23 = vector.shape_cast %swap3A_22 : vector<1x512x1536xf32> to vector<512x1536xf32>
    %swap3A_24 = vector.shape_cast %dot_general3A_19 : vector<512x1536xf32> to vector<1x512x1536xf32>
    tpu.vector_store %arg4[%swap3A, %swap3A_20, %swap3A_21], %swap3A_24 {strides = array<i32>} : memref<1x512x1536xf32, #tpu.memory_space<vmem>>, vector<1x512x1536xf32>,
    return
  }
  func.func @transform_0(%arg0: i32) -> (i32, i32, i32) {
    %c0_i32 = arith.constant 0 : i32
    %c0_i32_0 = arith.constant 0 : i32
    %c0_i32_1 = arith.constant 0 : i32
    return %arg0, %c0_i32, %c0_i32_0 : i32, i32, i32
  }
  func.func @transform_1(%arg0: i32) -> (i32, i32, i32) {
    %c0_i32 = arith.constant 0 : i32
    %c0_i32_0 = arith.constant 0 : i32
    %c0_i32_1 = arith.constant 0 : i32
    return %arg0, %c0_i32, %c0_i32_0 : i32, i32, i32
  }
  func.func @transform_2(%arg0: i32) -> (i32, i32) {
    %c0_i32 = arith.constant 0 : i32
    %c0_i32_0 = arith.constant 0 : i32
    %c0_i32_1 = arith.constant 0 : i32
    return %c0_i32, %c0_i32_0 : i32, i32
  }
  func.func @transform_3(%arg0: i32) -> (i32, i32, i32) {
    %c0_i32 = arith.constant 0 : i32
    %c0_i32_0 = arith.constant 0 : i32
    %c0_i32_1 = arith.constant 0 : i32
    return %arg0, %c0_i32, %c0_i32_0 : i32, i32, i32
  }
}

</mosaic_0001>

<sc_bundles>
// kernel: kernel.6.cloned.1.call-start
scs
__scs_entry_jumppad:
0x0: {  	(pc) =	sbr.rel $0x88, $3  }
0x1: {  	(tag) =	ssettag $0x0;
	lr =	simm.s32 $0x1  }
0x2: {  	[smem:$0x3FA0] =	sst lr;
	_ =	strace $0xD0000000  }
0x3: {  	_ = 	snop  }
0x4: {  	_ = 	snop  }
0x5: {  	_ = 	snop  }
0x6: {  	_ = 	snop  }
0x7: {  	_ = 	snop  }
__scs_overlays_trampoline_lowered:
0x8: {  	[smem:$0x3FAF] =	sst s0  }
0x9: {  	[smem:$0x3FB0] =	sst s1  }
0xa: {  	[smem:$0x3FB1] =	sst s2  }
0xb: {  	[smem:$0x3FB2] =	sst s3  }
0xc: {  	[smem:$0x3FB3] =	sst s4  }
0xd: {  	[smem:$0x3FB4] =	sst s5  }
0xe: {  	[smem:$0x3FB5] =	sst s6  }
0xf: {  	[smem:$0x3FB6] =	sst s7  }
0x10: {  	[smem:$0x3FB7] =	sst s8  }
0x11: {  	[smem:$0x3FB8] =	sst s9;
	s0 =	simm.s32 @!p0 $0x0  }
0x12: {  	s1 =	sld [smem:$0x3F9E];
	s0 =	simm.s32 @p0 $0x1  }
0x13: {  	[smem:$0x3FB9] =	sst s0;
	s0 =	simm.s32 @!p1 $0x0  }
0x14: {  	s2 =	sld [smem:$0x3F9D];
	s0 =	simm.s32 @p1 $0x1  }
0x15: {  	[smem:$0x3FBA] =	sst s0;
	s0 =	simm.s32 @!p2 $0x0  }
0x16: {  	s3 =	sld [smem:$0x3FDB];
	s0 =	simm.s32 @p2 $0x1  }
0x17: {  	s4 =	simm.s32 $0x1BF5;
	[smem:$0x3FBC] =	sst s0  }
0x18: {  	s0 =	sld [smem:$0x3F9F];
	_ =	swait.ge [sflag:s4], $0x0  }
0x19: {  	s7 =	sld [smem:$0x3FA0]  }
0x1a: {  	s8 =	sadd.s32 $0xFFFFE003, lr  }
0x1b: {  	s9 =	sadd.s32 $0xFFFFFEF7, lr;
	s5 =	simm.s32 $0xFFFFFFFF;
	p2 =	slt.u32 s8, $0xFFFFF086  }
0x1c: {  	p1 =	slt.u32 s9, $0xF7A;
	s5 =	simm.s32 @!p2 $0x0  }
0x1d: {  	s5 =	simm.s32 @p1 $0x1;
	p0 =	seq.s32 s7, s2  }
0x1e: {  	s7 =	smul.u32 @!p0 $0xF7A, s2;
	p2 =	seq.s32 @!p0 s5, $0x0  }
0x1f: {  	s9 =	smul.u32 $0xF7A, s1;
	s8 =	simm.s32 @!p0 $0x1BF5;
	p2 =	por !p2, p0  }
0x20: {  	[sflag:s8] =	ssyncset.s32 @!p0 $0xFFFFF086;
	s6 =	sadd.s32 @!p0 s3, s7;
	s7 =	simm.s32 @!p0 $0x108  }
0x21: {  	s3 =	sadd.s32 s3, s9;
	s6 =	sadd.s32 @!p0 $0x88, s6;
	s7 =	simm.s32 @p2 $0x1082  }
0x22: {  	[simem:s7], [sflag:s8] =	dma.local @!p0 [hbm:s6], $0xF7A  }
0x23: {  	s9 =	sor.u32 $0xD0000000, s2;
	s6 =	simm.s32 $0x108;
	_ =	swait.ge @!p0 [sflag:s8], $0x0  }
0x24: {  	s3 =	sadd.s32 $0x88, s3;
	s6 =	simm.s32 @!p1 $0x1082;
	[sflag:s4] =	ssyncset.s32 $0xFFFFF086  }
0x25: {  	[simem:s6], [sflag:s4] =	dma.local [hbm:s3], $0xF7A  }
0x26: {  	[smem:$0x3FA0] =	sst s1;
	(tag) =	ssettag s2;
	_ =	strace s9  }
0x27: {  	s1 =	sld [smem:$0x3FB0]  }
0x28: {  	s2 =	sld [smem:$0x3FB1]  }
0x29: {  	s4 =	sld [smem:$0x3FB3]  }
0x2a: {  	p0 =	seq.s32 s5, $0x0;
	s5 =	sld [smem:$0x3FB4]  }
0x2b: {  	s6 =	sld [smem:$0x3FB5]  }
0x2c: {  	s7 =	sld [smem:$0x3FB6]  }
0x2d: {  	s3 =	simm.s32 $0x108;
	s8 =	sld [smem:$0x3FB7]  }
0x2e: {  	s3 =	simm.s32 @!p0 $0x1082;
	s9 =	sld [smem:$0x3FB8]  }
0x2f: {  	lr =	sadd.s32 s0, s3;
	s0 =	sld [smem:$0x3FAF]  }
0x30: {  	s3 =	sld [smem:$0x3FB2]  }
0x31: {  	[smem:$0x3FBB] =	sst s10  }
0x32: {  	s10 =	sld [smem:$0x3FB9];
	_ =	sdelay $0x3  }
0x33: {  	p0 =	seq.s32 s10, $0x1;
	s10 =	sld [smem:$0x3FBB];
	_ =	sdelay $0x3  }
0x34: {  	[smem:$0x3FBB] =	sst s10  }
0x35: {  	s10 =	sld [smem:$0x3FBA];
	_ =	sdelay $0x3  }
0x36: {  	p1 =	seq.s32 s10, $0x1;
	s10 =	sld [smem:$0x3FBB];
	_ =	sdelay $0x3  }
0x37: {  	[smem:$0x3FBB] =	sst s10  }
0x38: {  	s10 =	sld [smem:$0x3FBC]  }
0x39: {  	_ = 	snop;
	(pc) =	sbr.ind lr, $3  }
0x3a: {  	_ = 	snop  }
0x3b: {  	_ = 	snop  }
0x3c: {  	p2 =	seq.s32 s10, $0x1;
	s10 =	sld [smem:$0x3FBB]  }
0x3d: {  	_ =	shalt  }
0x3e: {  	_ =	shalt  }
0x3f: {  	_ =	shalt  }
0x40: {  	_ =	shalt  }
0x41: {  	_ =	shalt  }
0x42: {  	_ =	shalt  }
0x43: {  	_ =	shalt  }
0x44: {  	_ =	shalt  }
0x45: {  	_ =	shalt  }
0x46: {  	_ =	shalt  }
0x47: {  	_ =	shalt  }
0x48: {  	_ =	shalt  }
0x49: {  	_ =	shalt  }
0x4a: {  	_ =	shalt  }
0x4b: {  	_ =	shalt  }
0x4c: {  	_ =	shalt  }
0x4d: {  	_ =	shalt  }
0x4e: {  	_ =	shalt  }
0x4f: {  	_ =	shalt  }
0x50: {  	_ =	shalt  }
0x51: {  	_ =	shalt  }
0x52: {  	_ =	shalt  }
0x53: {  	_ =	shalt  }
0x54: {  	_ =	shalt  }
0x55: {  	_ =	shalt  }
0x56: {  	_ =	shalt  }
0x57: {  	_ =	shalt  }
0x58: {  	_ =	shalt  }
0x59: {  	_ =	shalt  }
0x5a: {  	_ =	shalt  }
0x5b: {  	_ =	shalt  }
0x5c: {  	_ =	shalt  }
0x5d: {  	_ =	shalt  }
0x5e: {  	_ =	shalt  }
0x5f: {  	_ =	shalt  }
0x60: {  	_ =	shalt  }
0x61: {  	_ =	shalt  }
0x62: {  	_ =	shalt  }
0x63: {  	_ =	shalt  }
0x64: {  	_ =	shalt  }
0x65: {  	_ =	shalt  }
0x66: {  	_ =	shalt  }
0x67: {  	_ =	shalt  }
0x68: {  	_ =	shalt  }
0x69: {  	_ =	shalt  }
0x6a: {  	_ =	shalt  }
0x6b: {  	_ =	shalt  }
0x6c: {  	_ =	shalt  }
0x6d: {  	_ =	shalt  }
0x6e: {  	_ =	shalt  }
0x6f: {  	_ =	shalt  }
0x70: {  	_ =	shalt  }
0x71: {  	_ =	shalt  }
0x72: {  	_ =	shalt  }
0x73: {  	_ =	shalt  }
0x74: {  	_ =	shalt  }
0x75: {  	_ =	shalt  }
0x76: {  	_ =	shalt  }
0x77: {  	_ =	shalt  }
0x78: {  	_ =	shalt  }
0x79: {  	_ =	shalt  }
0x7a: {  	_ =	shalt  }
0x7b: {  	_ =	shalt  }
0x7c: {  	_ =	shalt  }
0x7d: {  	_ =	shalt  }
0x7e: {  	_ =	shalt  }
0x7f: {  	_ =	shalt  }
0x80: {  	_ =	shalt  }
0x81: {  	_ =	shalt  }
0x82: {  	_ =	shalt  }
0x83: {  	_ =	shalt  }
0x84: {  	_ =	shalt  }
0x85: {  	_ =	shalt  }
0x86: {  	_ =	shalt  }
0x87: {  	_ =	shalt  }
.Lfunc_end0:
.L_simem_size_0:
called_computation.1_lowered:
.L_overlay_start_0:
0x88: {  	s2 =	sld [smem:$0x3FD9]  }
0x89: {  	s3 =	sld [smem:$0x3FFE];
	_ =	sdelay $0x1  }
0x8a: {  	s1 =	srdreg.scid  }
0x8b: {  	s0 =	sand.u32 $0x1, s1  }
0x8c: {  	s17 =	sshll.u32 s0, $0xA;
	s2 =	sadd.s32 s3, s2  }
0x8d: {  	s2 =	sadd.s32 s2, s17  }
0x8e: {  	[smem:$0x3FC7] =	sst s2  }
0x8f: {  	_ = 	snop  }
0x90: {  	s2 =	sld [smem:$0x3FD0];
	(tm) =	ssettm $0x1  }
0x91: {  	s18 =	sld [smem:$0x3FFB];
	_ =	sdelay $0x3  }
0x92: {  	_ =	strace s18  }
0x93: {  	s3 =	sld [smem:$0x3FFC];
	_ =	sdelay $0x3  }
0x94: {  	_ =	strace s3  }
0x95: {  	s3 =	sld [smem:$0x3FFD];
	_ =	sdelay $0x3  }
0x96: {  	_ =	strace s3  }
0x97: {  	_ =	strace $0x8FFFFFFF  }
0x98: {  	s19 =	sld [smem:$0x3FDB];
	_ =	sdelay $0x1  }
0x99: {  	s4 =	simm.s32 $_scs_section_size  }
0x9a: {  	s5 =	simm.s32 $_size__tile_overlayer_lowered;
	s6 =	simm.s32 $_tile_overlayer_lowered  }
0x9b: {  	s22 =	simm.s32 $0x1BFF;
	s21 =	sshll.u32 s6, $0x1;
	s3 =	sadd.s32 s4, s19  }
0x9c: {  	s7 =	simm.s32 $0x0;
	s20 =	sshll.u32 s5, $0x1;
	s5 =	sadd.s32 s21, s3  }
0x9d: {  	[timem:s7], [sflag:s22] =	dma.local [hbm:s5], s20  }
0x9e: {  	_ =	swait.ge [sflag:s22], s20  }
0x9f: {  	s4 =	ssub.s32 $0x0, s20;
	[sflag:s22] =	ssyncset.done $0x0  }
0xa0: {  	[sflag:s22] =	ssyncadd.s32 s4;
	_ =	sdelay $0x1  }
0xa1: {  	s23 =	simm.s32 $0x1B8B  }
0xa2: {  	_ =	swait.ge [sflag:s23], $0x1  }
0xa3: {  	[sflag:s23] =	ssyncset.done $0x0  }
0xa4: {  	s25 =	simm.s32 $0x1B8E;
	s24 =	sld [smem:$0x3FFE];
	[sflag:s23] =	ssyncadd.s32 $0xFFFFFFFF  }
0xa5: {  	s26 =	simm.s32 $execute0_lowered;
	[smem:$0x3FD2] =	sst s25  }
0xa6: {  	s5 =	sshll.u32 s26, $0x1;
	_ =	strace $0x80000046;
	[dreg:$0x1] =	wrdreg $0xFFFFFFFF  }
0xa7: {  	s28 =	simm.s32 $_size_execute0_lowered;
	s3 =	sadd.s32 s3, s5;
	[dreg:$0x0] =	wrdreg $0x0  }
0xa8: {  	s5 =	sshll.u32 s28, $0x1;
	[dreg:$0x2] =	wrdreg s3  }
0xa9: {  	[dreg:$0x3] =	wrdreg s5  }
0xaa: {  	[dreg:$0x4] =	wrdreg $0xC0  }
0xab: {  	_ =	task [dreg:s7], $0x5FFFF  }
0xac: {  	[dreg:$0x1] =	wrdreg $0xFFFFFFFF  }
0xad: {  	[dreg:$0x0] =	wrdreg $0x60  }
0xae: {  	[dreg:$0x2] =	wrdreg s2  }
0xaf: {  	[dreg:$0x3] =	wrdreg s24  }
0xb0: {  	[dreg:$0x4] =	wrdreg $0x9  }
0xb1: {  	_ =	task.clear_ibuf [dreg:s7], $0x5FFFF;
	_ =	strace $0x90000046  }
0xb2: {  	s29 =	simm.s32 $0x9;
	_ =	strace $0x80000048  }
0xb3: {  	_ =	swait.ge [sflag:s29], $0x1  }
0xb4: {  	[sflag:s29] =	ssyncadd.s32 $0xFFFFFFFF  }
0xb5: {  	_ =	strace $0x90000048  }
0xb6: {  	_ =	sfence  }
0xb7: {  	s30 =	sld [smem:$0x0];
	_ =	sdelay $0x2  }
0xb8: {  	s31 =	sshll.u32 s1, $0xD;
	s1 =	sshrl.u32 s1, $0x2  }
0xb9: {  	s3 =	sand.u32 $0x4000, s31;
	s1 =	sadd.s32 s1, s30  }
0xba: {  	s0 =	sor.u32 s3, s0;
	s1 =	sshll.u32 s1, $0x11  }
0xbb: {  	s0 =	sor.u32 s1, s0  }
0xbc: {  	s0 =	sadd.s32 $0x8F2B, s0  }
0xbd: {  	[sflag:s0] =	ssyncadd.remote.s32 $0x1  }
0xbe: {  	_ =	sfence.sel $0xFFFF  }
0xbf: {  	[dreg:$0x0] =	wrdreg $0xFFFFFFFF;
	(pc) =	sbr.abs _section_cstart, $3  }
0xc0: {  	[dreg:$0x1] =	wrdreg $0xFFFFFFFF  }
0xc1: {  	_ =	task.clear_ibuf [dreg:s7], $0x2FFFF;
	_ =	strace $0x9FFFFFFF  }
0xc2: {  	(tm) =	ssettm $0x7FFFFFFF  }
0xc3: {  	_ =	shalt  }
tec
execute0_lowered:
.L_overlay_start_1:
0x0: {  	(tag) =	ssettag $0x1  }
0x1: {  	s3 =	rddreg [dreg:$0x0]  }
0x2: {  	s4 =	rddreg [dreg:$0x1]  }
0x3: {  	s0 =	rddreg [dreg:$0x2];
	s2 =	simm.s32 $0x0;
	s1 =	stileid.u32  }
0x4: {  	s5 =	srdreg.scid;
	s14 =	simm.s32 $0x1;
	s15 =	simm.s32 $0x10000  }
0x5: {  	s16 =	simm.s32 $0x2;
	s17 =	simm.s32 $0x80;
	s18 =	simm.s32 $0x400  }
0x6: {  	s19 =	simm.s32 $0x3;
	[smem:$0x7FF] =	sst s2;
	s5 =	sand.u32 $0x1, s5  }
0x7: {  	s6 =	sshll.u32 s1, $0x1;
	s30 =	sshll.u32 s1, $0xA;
	_ =	strace $0x80000047  }
0x8: {  	s7 =	sor.u32 s5, s6;
	s5 =	ssub.s32 $0x2, s5;
	s6 =	sand.u32 $0x3000, s30  }
0x9: {  	s8 =	sshll.u32 s7, $0xF;
	s9 =	sshrl.u32 s5, $0x1;
	s11 =	sadd.s32 s6, s4  }
0xa: {  	s31 =	sshll.u32 s7, $0x4;
	s3 =	sadd.s32 s3, s8;
	s12 =	ssub.s32 s5, s9  }
0xb: {  	s13 =	sand.u32 $0x70, s31;
	s4 =	sadd.s32 $0x1000, s3;
	s5 =	sadd.s32 $0x2000, s3  }
0xc: {  	s6 =	sadd.s32 $0x3000, s3;
	s7 =	sadd.s32 $0x4000, s3;
	s8 =	sadd.s32 $0x5000, s3  }
0xd: {  	s9 =	sadd.s32 $0x6000, s3;
	s10 =	sadd.s32 $0x7000, s3;
	s11 =	sadd.s32 s13, s11  }
0xe: {  	v0 =	vimm.f32 $0.0e+00;
	v1 =	vimm.f32 $1.000000000e+00;
	s12 =	smax.u32 s12, $0x1;
	s13 =	simm.s32 $0x8000;
	s11 =	sadd.s32 $0x800, s11  }
.LBB2_1:
0xf: {  	s20 =	simm.s32 $0x40;
	s21 =	simm.s32 $0x0  }
.LBB2_2:
0x10: {  	p0 =	sne.s32 s20, $0x3FC0;
	[tilespmem:s21+$0x10000] =	vst v0;
	s21 =	smov.u32 s20;
	s20 =	sadd.s32 $0x40, s20  }
.Ltmp0:
0x11: {  	(pc) =	sbr.rel @p0 .LBB2_2-.Ltmp0, $2  }
0x12: {  	_ =	sdelay $0x2  }
0x13: {  	s21 =	sshra.s32 s21, $0x2  }
0x14: {  	[tilespmem:s21+$0x10000] =	vst v0;
	s20 =	simm.s32 $0x0  }
0x15: {  	[tilespmem:s20], [sflag:$0x1] =	stream.linear.gather [hbm4b:s3+s20], $0x8000, $0x38;
	[tilespmem:$0x11000] =	vst v63  }
0x16: {  	_ = 	snop  }
0x17: {  	[tilespmem:s13], [sflag:$0x2] =	stream.linear.gather [hbm4b:s4+s20], $0x8000, $0x38;
	[tilespmem:$0x11000] =	vst v63  }
0x18: {  	_ =	swait.ge [sflag:s14], $0x8000  }
0x19: {  	[sflag:s14] =	ssyncset.done $0x0  }
0x1a: {  	s21 =	simm.s32 $0x0;
	s22 =	simm.s32 $0x0;
	[sflag:s14] =	ssyncadd.s32 $0xFFFF8000  }
.LBB2_4:
0x1b: {  	s23 =	sshll.u32 s22, $0x6  }
0x1c: {  	s24 =	sand.u32 $0xC00, s21;
	s25 =	sshll.u32 s22, $0x4;
	s23 =	sand.u32 $0x7000, s23  }
0x1d: {  	s25 =	sand.u32 $0x380, s25;
	s23 =	sor.u32 s24, s23  }
0x1e: {  	s31 =	sand.u32 $0x40, s20;
	s23 =	sor.u32 s25, s23  }
0x1f: {  	s23 =	sor.u32 s31, s23  }
0x20: {  	v2 =	vld [tilespmem:s23+$0x0];
	_ =	sdelay $0x7  }
0x21: {  	[tilespmem:v2+s15+$0x0] =	vst.idx.add.f32.msk $0xffff, v1  }
0x22: {  	v2 =	vld [tilespmem:s23+$0x10];
	_ =	sdelay $0x7  }
0x23: {  	[tilespmem:v2+s15+$0x0] =	vst.idx.add.f32.msk $0xffff, v1  }
0x24: {  	v2 =	vld [tilespmem:s23+$0x20];
	_ =	sdelay $0x7  }
0x25: {  	[tilespmem:v2+s15+$0x0] =	vst.idx.add.f32.msk $0xffff, v1  }
0x26: {  	v2 =	vld [tilespmem:s23+$0x30];
	_ =	sdelay $0x2  }
0x27: {  	p0 =	sne.s32 s22, $0x1FF  }
.Ltmp1:
0x28: {  	_ = 	snop;
	(pc) =	sbr.rel @p0 .LBB2_4-.Ltmp1, $2  }
0x29: {  	_ =	sdelay $0x2  }
0x2a: {  	s21 =	sadd.s32 $0x200, s21;
	s20 =	sadd.s32 $0x40, s20;
	s22 =	sadd.s32 $0x1, s22;
	[tilespmem:v2+s15+$0x0] =	vst.idx.add.f32.msk $0xffff, v1  }
0x2b: {  	s20 =	simm.s32 $0x0  }
0x2c: {  	[tilespmem:s20], [sflag:$0x1] =	stream.linear.gather [hbm4b:s5+s20], $0x8000, $0x38;
	[tilespmem:$0x11000] =	vst v63  }
0x2d: {  	_ =	swait.ge [sflag:s16], $0x8000  }
0x2e: {  	[sflag:s16] =	ssyncset.done $0x0  }
0x2f: {  	s21 =	simm.s32 $0x0;
	s22 =	simm.s32 $0x0;
	[sflag:s16] =	ssyncadd.s32 $0xFFFF8000  }
.LBB2_6:
0x30: {  	s23 =	sshll.u32 s22, $0x6  }
0x31: {  	s24 =	sand.u32 $0xC00, s21;
	s25 =	sshll.u32 s22, $0x4;
	s23 =	sand.u32 $0x7000, s23  }
0x32: {  	s25 =	sand.u32 $0x380, s25;
	s23 =	sor.u32 s24, s23  }
0x33: {  	s31 =	sand.u32 $0x40, s20;
	s23 =	sor.u32 s25, s23  }
0x34: {  	s23 =	sor.u32 s31, s23  }
0x35: {  	v2 =	vld [tilespmem:s23+$0x8000];
	_ =	sdelay $0x7  }
0x36: {  	[tilespmem:v2+s15+$0x0] =	vst.idx.add.f32.msk $0xffff, v1  }
0x37: {  	v2 =	vld [tilespmem:s23+$0x8010];
	_ =	sdelay $0x7  }
0x38: {  	[tilespmem:v2+s15+$0x0] =	vst.idx.add.f32.msk $0xffff, v1  }
0x39: {  	v2 =	vld [tilespmem:s23+$0x8020];
	_ =	sdelay $0x7  }
0x3a: {  	[tilespmem:v2+s15+$0x0] =	vst.idx.add.f32.msk $0xffff, v1  }
0x3b: {  	v2 =	vld [tilespmem:s23+$0x8030];
	_ =	sdelay $0x2  }
0x3c: {  	p0 =	sne.s32 s22, $0x1FF  }
.Ltmp2:
0x3d: {  	_ = 	snop;
	(pc) =	sbr.rel @p0 .LBB2_6-.Ltmp2, $2  }
0x3e: {  	_ =	sdelay $0x2  }
0x3f: {  	s21 =	sadd.s32 $0x200, s21;
	s20 =	sadd.s32 $0x40, s20;
	s22 =	sadd.s32 $0x1, s22;
	[tilespmem:v2+s15+$0x0] =	vst.idx.add.f32.msk $0xffff, v1  }
0x40: {  	s20 =	simm.s32 $0x0  }
0x41: {  	[tilespmem:s13], [sflag:$0x2] =	stream.linear.gather [hbm4b:s6+s20], $0x8000, $0x38;
	[tilespmem:$0x11000] =	vst v63  }
0x42: {  	_ =	swait.ge [sflag:s14], $0x8000  }
0x43: {  	[sflag:s14] =	ssyncset.done $0x0  }
0x44: {  	s21 =	simm.s32 $0x0;
	s22 =	simm.s32 $0x0;
	[sflag:s14] =	ssyncadd.s32 $0xFFFF8000  }
.LBB2_8:
0x45: {  	s23 =	sshll.u32 s22, $0x6  }
0x46: {  	s24 =	sand.u32 $0xC00, s21;
	s25 =	sshll.u32 s22, $0x4;
	s23 =	sand.u32 $0x7000, s23  }
0x47: {  	s25 =	sand.u32 $0x380, s25;
	s23 =	sor.u32 s24, s23  }
0x48: {  	s31 =	sand.u32 $0x40, s20;
	s23 =	sor.u32 s25, s23  }
0x49: {  	s23 =	sor.u32 s31, s23  }
0x4a: {  	v2 =	vld [tilespmem:s23+$0x0];
	_ =	sdelay $0x7  }
0x4b: {  	[tilespmem:v2+s15+$0x0] =	vst.idx.add.f32.msk $0xffff, v1  }
0x4c: {  	v2 =	vld [tilespmem:s23+$0x10];
	_ =	sdelay $0x7  }
0x4d: {  	[tilespmem:v2+s15+$0x0] =	vst.idx.add.f32.msk $0xffff, v1  }
0x4e: {  	v2 =	vld [tilespmem:s23+$0x20];
	_ =	sdelay $0x7  }
0x4f: {  	[tilespmem:v2+s15+$0x0] =	vst.idx.add.f32.msk $0xffff, v1  }
0x50: {  	v2 =	vld [tilespmem:s23+$0x30];
	_ =	sdelay $0x2  }
0x51: {  	p0 =	sne.s32 s22, $0x1FF  }
.Ltmp3:
0x52: {  	_ = 	snop;
	(pc) =	sbr.rel @p0 .LBB2_8-.Ltmp3, $2  }
0x53: {  	_ =	sdelay $0x2  }
0x54: {  	s21 =	sadd.s32 $0x200, s21;
	s20 =	sadd.s32 $0x40, s20;
	s22 =	sadd.s32 $0x1, s22;
	[tilespmem:v2+s15+$0x0] =	vst.idx.add.f32.msk $0xffff, v1  }
0x55: {  	s20 =	simm.s32 $0x0  }
0x56: {  	[tilespmem:s20], [sflag:$0x1] =	stream.linear.gather [hbm4b:s7+s20], $0x8000, $0x38;
	[tilespmem:$0x11000] =	vst v63  }
0x57: {  	_ =	swait.ge [sflag:s16], $0x8000  }
0x58: {  	[sflag:s16] =	ssyncset.done $0x0  }
0x59: {  	s21 =	simm.s32 $0x0;
	s22 =	simm.s32 $0x0;
	[sflag:s16] =	ssyncadd.s32 $0xFFFF8000  }
.LBB2_10:
0x5a: {  	s23 =	sshll.u32 s22, $0x6  }
0x5b: {  	s24 =	sand.u32 $0xC00, s21;
	s25 =	sshll.u32 s22, $0x4;
	s23 =	sand.u32 $0x7000, s23  }
0x5c: {  	s25 =	sand.u32 $0x380, s25;
	s23 =	sor.u32 s24, s23  }
0x5d: {  	s31 =	sand.u32 $0x40, s20;
	s23 =	sor.u32 s25, s23  }
0x5e: {  	s23 =	sor.u32 s31, s23  }
0x5f: {  	v2 =	vld [tilespmem:s23+$0x8000];
	_ =	sdelay $0x7  }
0x60: {  	[tilespmem:v2+s15+$0x0] =	vst.idx.add.f32.msk $0xffff, v1  }
0x61: {  	v2 =	vld [tilespmem:s23+$0x8010];
	_ =	sdelay $0x7  }
0x62: {  	[tilespmem:v2+s15+$0x0] =	vst.idx.add.f32.msk $0xffff, v1  }
0x63: {  	v2 =	vld [tilespmem:s23+$0x8020];
	_ =	sdelay $0x7  }
0x64: {  	[tilespmem:v2+s15+$0x0] =	vst.idx.add.f32.msk $0xffff, v1  }
0x65: {  	v2 =	vld [tilespmem:s23+$0x8030];
	_ =	sdelay $0x2  }
0x66: {  	p0 =	sne.s32 s22, $0x1FF  }
.Ltmp4:
0x67: {  	_ = 	snop;
	(pc) =	sbr.rel @p0 .LBB2_10-.Ltmp4, $2  }
0x68: {  	_ =	sdelay $0x2  }
0x69: {  	s21 =	sadd.s32 $0x200, s21;
	s20 =	sadd.s32 $0x40, s20;
	s22 =	sadd.s32 $0x1, s22;
	[tilespmem:v2+s15+$0x0] =	vst.idx.add.f32.msk $0xffff, v1  }
0x6a: {  	s20 =	simm.s32 $0x0  }
0x6b: {  	[tilespmem:s13], [sflag:$0x2] =	stream.linear.gather [hbm4b:s8+s20], $0x8000, $0x38;
	[tilespmem:$0x11000] =	vst v63  }
0x6c: {  	_ =	swait.ge [sflag:s14], $0x8000  }
0x6d: {  	[sflag:s14] =	ssyncset.done $0x0  }
0x6e: {  	s21 =	simm.s32 $0x0;
	s22 =	simm.s32 $0x0;
	[sflag:s14] =	ssyncadd.s32 $0xFFFF8000  }
.LBB2_12:
0x6f: {  	s23 =	sshll.u32 s22, $0x6  }
0x70: {  	s24 =	sand.u32 $0xC00, s21;
	s25 =	sshll.u32 s22, $0x4;
	s23 =	sand.u32 $0x7000, s23  }
0x71: {  	s25 =	sand.u32 $0x380, s25;
	s23 =	sor.u32 s24, s23  }
0x72: {  	s31 =	sand.u32 $0x40, s20;
	s23 =	sor.u32 s25, s23  }
0x73: {  	s23 =	sor.u32 s31, s23  }
0x74: {  	v2 =	vld [tilespmem:s23+$0x0];
	_ =	sdelay $0x7  }
0x75: {  	[tilespmem:v2+s15+$0x0] =	vst.idx.add.f32.msk $0xffff, v1  }
0x76: {  	v2 =	vld [tilespmem:s23+$0x10];
	_ =	sdelay $0x7  }
0x77: {  	[tilespmem:v2+s15+$0x0] =	vst.idx.add.f32.msk $0xffff, v1  }
0x78: {  	v2 =	vld [tilespmem:s23+$0x20];
	_ =	sdelay $0x7  }
0x79: {  	[tilespmem:v2+s15+$0x0] =	vst.idx.add.f32.msk $0xffff, v1  }
0x7a: {  	v2 =	vld [tilespmem:s23+$0x30];
	_ =	sdelay $0x2  }
0x7b: {  	p0 =	sne.s32 s22, $0x1FF  }
.Ltmp5:
0x7c: {  	_ = 	snop;
	(pc) =	sbr.rel @p0 .LBB2_12-.Ltmp5, $2  }
0x7d: {  	_ =	sdelay $0x2  }
0x7e: {  	s21 =	sadd.s32 $0x200, s21;
	s20 =	sadd.s32 $0x40, s20;
	s22 =	sadd.s32 $0x1, s22;
	[tilespmem:v2+s15+$0x0] =	vst.idx.add.f32.msk $0xffff, v1  }
0x7f: {  	s20 =	simm.s32 $0x0  }
0x80: {  	[tilespmem:s20], [sflag:$0x1] =	stream.linear.gather [hbm4b:s9+s20], $0x8000, $0x38;
	[tilespmem:$0x11000] =	vst v63  }
0x81: {  	_ =	swait.ge [sflag:s16], $0x8000  }
0x82: {  	[sflag:s16] =	ssyncset.done $0x0  }
0x83: {  	s21 =	simm.s32 $0x0;
	s22 =	simm.s32 $0x0;
	[sflag:s16] =	ssyncadd.s32 $0xFFFF8000  }
.LBB2_14:
0x84: {  	s23 =	sshll.u32 s22, $0x6  }
0x85: {  	s24 =	sand.u32 $0xC00, s21;
	s25 =	sshll.u32 s22, $0x4;
	s23 =	sand.u32 $0x7000, s23  }
0x86: {  	s25 =	sand.u32 $0x380, s25;
	s23 =	sor.u32 s24, s23  }
0x87: {  	s31 =	sand.u32 $0x40, s20;
	s23 =	sor.u32 s25, s23  }
0x88: {  	s23 =	sor.u32 s31, s23  }
0x89: {  	v2 =	vld [tilespmem:s23+$0x8000];
	_ =	sdelay $0x7  }
0x8a: {  	[tilespmem:v2+s15+$0x0] =	vst.idx.add.f32.msk $0xffff, v1  }
0x8b: {  	v2 =	vld [tilespmem:s23+$0x8010];
	_ =	sdelay $0x7  }
0x8c: {  	[tilespmem:v2+s15+$0x0] =	vst.idx.add.f32.msk $0xffff, v1  }
0x8d: {  	v2 =	vld [tilespmem:s23+$0x8020];
	_ =	sdelay $0x7  }
0x8e: {  	[tilespmem:v2+s15+$0x0] =	vst.idx.add.f32.msk $0xffff, v1  }
0x8f: {  	v2 =	vld [tilespmem:s23+$0x8030];
	_ =	sdelay $0x2  }
0x90: {  	p0 =	sne.s32 s22, $0x1FF  }
.Ltmp6:
0x91: {  	_ = 	snop;
	(pc) =	sbr.rel @p0 .LBB2_14-.Ltmp6, $2  }
0x92: {  	_ =	sdelay $0x2  }
0x93: {  	s21 =	sadd.s32 $0x200, s21;
	s20 =	sadd.s32 $0x40, s20;
	s22 =	sadd.s32 $0x1, s22;
	[tilespmem:v2+s15+$0x0] =	vst.idx.add.f32.msk $0xffff, v1  }
0x94: {  	s20 =	simm.s32 $0x0  }
0x95: {  	[tilespmem:s13], [sflag:$0x2] =	stream.linear.gather [hbm4b:s10+s20], $0x8000, $0x38;
	[tilespmem:$0x11000] =	vst v63  }
0x96: {  	_ =	swait.ge [sflag:s14], $0x8000  }
0x97: {  	[sflag:s14] =	ssyncset.done $0x0  }
0x98: {  	s21 =	simm.s32 $0x0;
	s22 =	simm.s32 $0x0;
	[sflag:s14] =	ssyncadd.s32 $0xFFFF8000  }
.LBB2_16:
0x99: {  	s23 =	sshll.u32 s22, $0x6  }
0x9a: {  	s24 =	sand.u32 $0xC00, s21;
	s25 =	sshll.u32 s22, $0x4;
	s23 =	sand.u32 $0x7000, s23  }
0x9b: {  	s25 =	sand.u32 $0x380, s25;
	s23 =	sor.u32 s24, s23  }
0x9c: {  	s31 =	sand.u32 $0x40, s20;
	s23 =	sor.u32 s25, s23  }
0x9d: {  	s23 =	sor.u32 s31, s23  }
0x9e: {  	v2 =	vld [tilespmem:s23+$0x0];
	_ =	sdelay $0x7  }
0x9f: {  	[tilespmem:v2+s15+$0x0] =	vst.idx.add.f32.msk $0xffff, v1  }
0xa0: {  	v2 =	vld [tilespmem:s23+$0x10];
	_ =	sdelay $0x7  }
0xa1: {  	[tilespmem:v2+s15+$0x0] =	vst.idx.add.f32.msk $0xffff, v1  }
0xa2: {  	v2 =	vld [tilespmem:s23+$0x20];
	_ =	sdelay $0x7  }
0xa3: {  	[tilespmem:v2+s15+$0x0] =	vst.idx.add.f32.msk $0xffff, v1  }
0xa4: {  	v2 =	vld [tilespmem:s23+$0x30];
	_ =	sdelay $0x2  }
0xa5: {  	p0 =	sne.s32 s22, $0x1FF  }
.Ltmp7:
0xa6: {  	_ = 	snop;
	(pc) =	sbr.rel @p0 .LBB2_16-.Ltmp7, $2  }
0xa7: {  	_ =	sdelay $0x2  }
0xa8: {  	s21 =	sadd.s32 $0x200, s21;
	s20 =	sadd.s32 $0x40, s20;
	s22 =	sadd.s32 $0x1, s22;
	[tilespmem:v2+s15+$0x0] =	vst.idx.add.f32.msk $0xffff, v1  }
0xa9: {  	_ =	swait.ge [sflag:s16], $0x8000  }
0xaa: {  	s20 =	simm.s32 $0x0;
	[sflag:s16] =	ssyncset.done $0x0  }
0xab: {  	s21 =	simm.s32 $0x0;
	s22 =	simm.s32 $0x0;
	[sflag:s16] =	ssyncadd.s32 $0xFFFF8000  }
.LBB2_18:
0xac: {  	s23 =	sshll.u32 s22, $0x6  }
0xad: {  	s24 =	sand.u32 $0xC00, s21;
	s25 =	sshll.u32 s22, $0x4;
	s23 =	sand.u32 $0x7000, s23  }
0xae: {  	s25 =	sand.u32 $0x380, s25;
	s23 =	sor.u32 s24, s23  }
0xaf: {  	s31 =	sand.u32 $0x40, s20;
	s23 =	sor.u32 s25, s23  }
0xb0: {  	s23 =	sor.u32 s31, s23  }
0xb1: {  	v2 =	vld [tilespmem:s23+$0x8000];
	_ =	sdelay $0x7  }
0xb2: {  	[tilespmem:v2+s15+$0x0] =	vst.idx.add.f32.msk $0xffff, v1  }
0xb3: {  	v2 =	vld [tilespmem:s23+$0x8010];
	_ =	sdelay $0x7  }
0xb4: {  	[tilespmem:v2+s15+$0x0] =	vst.idx.add.f32.msk $0xffff, v1  }
0xb5: {  	v2 =	vld [tilespmem:s23+$0x8020];
	_ =	sdelay $0x7  }
0xb6: {  	[tilespmem:v2+s15+$0x0] =	vst.idx.add.f32.msk $0xffff, v1  }
0xb7: {  	v2 =	vld [tilespmem:s23+$0x8030];
	_ =	sdelay $0x2  }
0xb8: {  	p0 =	sne.s32 s22, $0x1FF  }
.Ltmp8:
0xb9: {  	_ = 	snop;
	(pc) =	sbr.rel @p0 .LBB2_18-.Ltmp8, $2  }
0xba: {  	_ =	sdelay $0x2  }
0xbb: {  	s21 =	sadd.s32 $0x200, s21;
	s20 =	sadd.s32 $0x40, s20;
	s22 =	sadd.s32 $0x1, s22;
	[tilespmem:v2+s15+$0x0] =	vst.idx.add.f32.msk $0xffff, v1  }
0xbc: {  	s2 =	sadd.s32 $0x1, s2  }
0xbd: {  	p0 =	sne.s32 s2, s12  }
.Ltmp9:
0xbe: {  	_ = 	snop;
	(pc) =	sbr.rel @p0 .LBB2_1-.Ltmp9, $4  }
0xbf: {  	[hbm4b:s11+s17] =	stream.strided.scatter [tilespmem:s15], [sflag:$0x3], $0x1000, s18, s17, $0x38;
	[tilespmem:$0x11000] =	vst v63  }
0xc0: {  	_ =	swait.ge [sflag:s19], $0x1000  }
0xc1: {  	[sflag:s19] =	ssyncset.done $0x0  }
0xc2: {  	[sflag:s19] =	ssyncadd.s32 $0xFFFFF000  }
0xc3: {  	_ =	sfence.sel $0x180000  }
0xc4: {  	[bflag:$0x0] =	sbarrier.arrive $0xFFFF  }
0xc5: {  	p0 =	sne.s32 s1, $0x0;
	_ =	strace $0x90000047  }
0xc6: {  	s0 =	sadd.s32 @!p0 $0x100000, s0;
	[bflag:$0x2] =	sbarrier.arrive $0xFFFF  }
0xc7: {  	[sflag:s0] =	ssyncadd.tile.s32 @!p0 $0x1;
	_ =	shalt  }
.Lfunc_end2:
_tile_overlayer_lowered:
.L_overlay_start_2:
0xc8: {  	(tag) =	ssettag $0x2  }
0xc9: {  	s0 =	rddreg [dreg:$0x0];
	s2 =	stileid.u32  }
0xca: {  	s1 =	rddreg [dreg:$0x1];
	p0 =	sne.s32 s2, $0x0  }
0xcb: {  	s3 =	rddreg [dreg:$0x2];
	[bflag:$0x3] =	sbarrier.arrive $0xFFFF;
	s2 =	simm.s32 @!p0 $0x1C03  }
0xcc: {  	[timem:s3], [sflag:s2] =	dma.local @!p0 [hbm:s0], s1  }
0xcd: {  	s0 =	simm.s32 @!p0 $0x3  }
0xce: {  	_ =	swait.ge @!p0 [sflag:s0], s1  }
0xcf: {  	s1 =	ssub.s32 @!p0 $0x0, s1;
	[sflag:s0] =	ssyncset.done @!p0 $0x0  }
0xd0: {  	[sflag:s0] =	ssyncadd.s32 @!p0 s1  }
0xd1: {  	[bflag:$0x3] =	sbarrier.arrive $0xFFFF  }
0xd2: {  	_ =	shalt  }

// kernel: sparse-core-data-format-call.cloned.1.call-start
scs
called_computation_lowered:
.L_overlay_start_0:
0x0: {  	s2 =	sld [smem:$0x3FD9]  }
0x1: {  	s3 =	sld [smem:$0x3FFE];
	_ =	sdelay $0x1  }
0x2: {  	s1 =	srdreg.scid  }
0x3: {  	s0 =	sand.u32 $0x1, s1  }
0x4: {  	s18 =	sshll.u32 s0, $0xA;
	s2 =	sadd.s32 s3, s2  }
0x5: {  	s2 =	sadd.s32 s2, s18  }
0x6: {  	[smem:$0x3FC7] =	sst s2  }
0x7: {  	_ = 	snop  }
0x8: {  	s2 =	sld [smem:$0x3FD0];
	(tm) =	ssettm $0x1  }
0x9: {  	s19 =	sld [smem:$0x3FFB];
	_ =	sdelay $0x3  }
0xa: {  	_ =	strace s19  }
0xb: {  	s3 =	sld [smem:$0x3FFC];
	_ =	sdelay $0x3  }
0xc: {  	_ =	strace s3  }
0xd: {  	s3 =	sld [smem:$0x3FFD];
	_ =	sdelay $0x3  }
0xe: {  	_ =	strace s3  }
0xf: {  	_ =	strace $0x8FFFFFFF  }
0x10: {  	s20 =	sld [smem:$0x3FDB];
	_ =	sdelay $0x1  }
0x11: {  	s4 =	simm.s32 $_scs_section_size  }
0x12: {  	s5 =	simm.s32 $_size__tile_overlayer_lowered;
	s6 =	simm.s32 $_tile_overlayer_lowered  }
0x13: {  	s23 =	simm.s32 $0x1BFF;
	s22 =	sshll.u32 s6, $0x1;
	s3 =	sadd.s32 s4, s20  }
0x14: {  	s7 =	simm.s32 $0x0;
	s21 =	sshll.u32 s5, $0x1;
	s5 =	sadd.s32 s22, s3  }
0x15: {  	[timem:s7], [sflag:s23] =	dma.local [hbm:s5], s21  }
0x16: {  	_ =	swait.ge [sflag:s23], s21  }
0x17: {  	s4 =	ssub.s32 $0x0, s21;
	[sflag:s23] =	ssyncset.done $0x0  }
0x18: {  	[sflag:s23] =	ssyncadd.s32 s4;
	_ =	sdelay $0x1  }
0x19: {  	s24 =	simm.s32 $0x1B8B  }
0x1a: {  	_ =	swait.ge [sflag:s24], $0x1  }
0x1b: {  	[sflag:s24] =	ssyncset.done $0x0  }
0x1c: {  	s26 =	simm.s32 $0x1B8E;
	s25 =	sld [smem:$0x3FFE];
	[sflag:s24] =	ssyncadd.s32 $0xFFFFFFFF  }
0x1d: {  	s27 =	simm.s32 $execute0_lowered;
	[smem:$0x3FD2] =	sst s26  }
0x1e: {  	s5 =	sshll.u32 s27, $0x1;
	_ =	strace $0x80000049;
	[dreg:$0x1] =	wrdreg $0xFFFFFFFF  }
0x1f: {  	s28 =	simm.s32 $_size_execute0_lowered;
	s3 =	sadd.s32 s3, s5;
	[dreg:$0x0] =	wrdreg $0x0  }
0x20: {  	s5 =	sshll.u32 s28, $0x1;
	[dreg:$0x2] =	wrdreg s3  }
0x21: {  	[dreg:$0x3] =	wrdreg s5  }
0x22: {  	[dreg:$0x4] =	wrdreg $0xC0  }
0x23: {  	_ =	task [dreg:s7], $0x5FFFF  }
0x24: {  	[dreg:$0x1] =	wrdreg $0xFFFFFFFF  }
0x25: {  	[dreg:$0x0] =	wrdreg $0x60  }
0x26: {  	[dreg:$0x2] =	wrdreg s25  }
0x27: {  	[dreg:$0x3] =	wrdreg s2  }
0x28: {  	[dreg:$0x4] =	wrdreg $0x9  }
0x29: {  	_ =	task.clear_ibuf [dreg:s7], $0x5FFFF;
	_ =	strace $0x90000049  }
0x2a: {  	s29 =	simm.s32 $0x9;
	_ =	strace $0x8000004B  }
0x2b: {  	_ =	swait.ge [sflag:s29], $0x1  }
0x2c: {  	[sflag:s29] =	ssyncadd.s32 $0xFFFFFFFF  }
0x2d: {  	_ =	strace $0x9000004B  }
0x2e: {  	_ =	sfence  }
0x2f: {  	s30 =	sld [smem:$0x0];
	_ =	sdelay $0x2  }
0x30: {  	s31 =	sshll.u32 s1, $0xD;
	s1 =	sshrl.u32 s1, $0x2  }
0x31: {  	s3 =	sand.u32 $0x4000, s31;
	s1 =	sadd.s32 s1, s30  }
0x32: {  	s0 =	sor.u32 s3, s0;
	s1 =	sshll.u32 s1, $0x11  }
0x33: {  	s0 =	sor.u32 s1, s0  }
0x34: {  	s0 =	sadd.s32 $0x8F2B, s0  }
0x35: {  	[sflag:s0] =	ssyncadd.remote.s32 $0x1  }
0x36: {  	_ =	sfence.sel $0xFFFF  }
0x37: {  	[dreg:$0x0] =	wrdreg $0xFFFFFFFF;
	(pc) =	sbr.abs _section_cstart, $3  }
0x38: {  	[dreg:$0x1] =	wrdreg $0xFFFFFFFF  }
0x39: {  	_ =	task.clear_ibuf [dreg:s7], $0x2FFFF;
	_ =	strace $0x9FFFFFFF  }
0x3a: {  	(tm) =	ssettm $0x7FFFFFFF  }
0x3b: {  	_ =	shalt  }
tec
execute0_lowered:
.L_overlay_start_1:
0x0: {  	(tag) =	ssettag $0x1  }
0x1: {  	s0 =	stileid.u32;
	s4 =	rddreg [dreg:$0x0]  }
0x2: {  	s3 =	rddreg [dreg:$0x1];
	s7 =	srdreg.scid;
	s8 =	simm.s32 $0x2  }
0x3: {  	s18 =	simm.s32 $0x0;
	s9 =	simm.s32 $0x1000;
	s16 =	simm.s32 $0x0  }
0x4: {  	s17 =	simm.s32 $0x0;
	s15 =	simm.s32 $0x0;
	s1 =	sshll.u32 s0, $0x7  }
0x5: {  	s10 =	simm.s32 $0x0;
	s12 =	simm.s32 $0x0;
	s2 =	sand.u32 $0x180, s1  }
0x6: {  	s14 =	simm.s32 $0x0;
	s4 =	sadd.s32 $0x800, s4;
	s5 =	ssub.s32 $0x200, s2  }
0x7: {  	s7 =	sshll.u32 s7, $0x4;
	s1 =	rddreg [dreg:$0x2];
	s6 =	sand.u32 $0x180, s5  }
0x8: {  	s7 =	sand.u32 $0x10, s7;
	p0 =	sne.s32 s6, $0x0;
	s6 =	simm.s32 $0x1  }
.Ltmp0:
0x9: {  	s5 =	sshrl.u32 s5, $0x9;
	s6 =	simm.s32 @!p0 $0x0;
	(pc) =	sbr.rel .LBB1_1-.Ltmp0, $4  }
0xa: {  	_ =	strace $0x8000004A;
	s7 =	sor.u32 s0, s7;
	s6 =	sadd.s32 s6, s5  }
0xb: {  	s7 =	sshrl.u32 s7, $0x2;
	s5 =	simm.s32 $0x1;
	s6 =	smul.u32 $0x30, s6  }
0xc: {  	s13 =	smov.u32 s2;
	s11 =	smov.u32 s7;
	[sflag:s5] =	ssyncpa.u1 $0x0  }
0xd: {  	p0 =	por $0x0, $0x0;
	[sflag:s8] =	ssyncpa.u1 $0x0;
	s8 =	sor.u32 $0x1, s6  }
.LBB1_4:
0xe: {  	v5 =	vld [tilespmem:s20+$0xFFFFFFD0];
	[tilespmem:s22+$0x2040 ss:$0x81] =	vst.msk $0xffff, v2  }
0xf: {  	v58 =	vld [tilespmem:s20+$0xFFFFFFE0];
	[tilespmem:s22+$0x2850 ss:$0x81] =	vst.msk $0xffff, v3  }
0x10: {  	s23 =	sshra.s32 s23, $0x2;
	v59 =	vld [tilespmem:s20+$0xFFFFFFF0];
	[tilespmem:s22+$0x3060 ss:$0x81] =	vst.msk $0xffff, v4  }
0x11: {  	v60 =	vld [tilespmem:s20+$0x0];
	[tilespmem:s22+$0x0 ss:$0x81] =	vst.msk $0xffff, v0;
	s21 =	sadd.s32 s23, s21  }
0x12: {  	s24 =	sshll.u32 s18, $0x9;
	s25 =	sshll.u32 s15, $0x3;
	v61 =	vld [tilespmem:s20+$0x10];
	s26 =	sshll.u32 s18, $0x7;
	[tilespmem:s21+$0x3870 ss:$0x81] =	vst.msk $0xffff, v1  }
0x13: {  	v62 =	vld [tilespmem:s20+$0x20];
	s28 =	sand.u32 $0x78, s15;
	s16 =	smul.u32 $0x18000, s16;
	s17 =	sshll.u32 s17, $0xF;
	[tilespmem:s21+$0x810 ss:$0x81] =	vst.msk $0xffff, v5  }
0x14: {  	v63 =	vld [tilespmem:s20+$0xFFFFFFC0];
	s30 =	sand.u32 $0x7, s15;
	s22 =	sand.u32 $0x3F000, s24;
	s23 =	sand.u32 $0x3FC00, s25;
	[tilespmem:s21+$0x1020 ss:$0x81] =	vst.msk $0xffff, v58  }
0x15: {  	s27 =	sand.u32 $0x200, s26;
	s18 =	sand.u32 $0x180, s26;
	s22 =	sadd.s32 s23, s22;
	[tilespmem:s21+$0x1830 ss:$0x81] =	vst.msk $0xffff, v59  }
0x16: {  	s17 =	sadd.s32 s3, s17;
	s18 =	sor.u32 s28, s18;
	s22 =	sor.u32 s27, s22;
	[tilespmem:s21+$0x2040 ss:$0x81] =	vst.msk $0xffff, v60  }
0x17: {  	s16 =	sadd.s32 s16, s17;
	s18 =	sshrl.u32 s18, $0x3;
	s29 =	sshrl.u32 s22, $0x3;
	[tilespmem:s21+$0x2850 ss:$0x81] =	vst.msk $0xffff, v61  }
0x18: {  	s15 =	sshll.u32 s30, $0x12;
	s16 =	sadd.s32 s18, s16;
	[tilespmem:s21+$0x3060 ss:$0x81] =	vst.msk $0xffff, v62;
	s31 =	sand.u32 $0x7FC0, s29  }
0x19: {  	s15 =	sor.u32 $0x400, s15;
	[tilespmem:s21+$0x0 ss:$0x81] =	vst.msk $0xffff, v63;
	s16 =	sadd.s32 s31, s16  }
0x1a: {  	[hbm4b:s16+s15] =	stream.strided.scatter [tilespmem:s19], [sflag:$0x2], $0x4000, s9, s15, $0x20;
	[tilespmem:$0x10100] =	vst v63  }
.LBB1_5:
0x1b: {  	s19 =	sadd.s32 $0x80, s10  }
0x1c: {  	s15 =	sadd.s32 $0x8, s11;
	s20 =	smov.u32 s11;
	p2 =	sgt.s32 s19, $0x1FF  }
0x1d: {  	s20 =	smov.u32 @p2 s15  }
0x1e: {  	s15 =	simm.s32 $0x1;
	p3 =	sgt.s32 s20, $0x1F  }
0x1f: {  	s15 =	simm.s32 @!p3 $0x0  }
0x20: {  	s21 =	sadd.s32 s15, s12  }
0x21: {  	s22 =	smov.u32 s13;
	s15 =	sadd.s32 $0x200, s13;
	p4 =	sgt.s32 s21, $0x2  }
0x22: {  	p1 =	slt.u32 s14, $0x2;
	s22 =	smov.u32 @p4 s15  }
0x23: {  	s18 =	smov.u32 s10;
	s19 =	simm.s32 @p2 $0x0;
	p2 =	sgt.s32 s22, $0x1FF  }
0x24: {  	s23 =	simm.s32 @!p1 $0x2;
	s22 =	smov.u32 @p2 s2;
	p2 =	sne.s32 s14, s8  }
.Ltmp1:
0x25: {  	s16 =	smov.u32 s11;
	_ =	swait.ge @!p1 [sflag:s23], $0x4000;
	(pc) =	sbr.rel @!p2 .LBB1_6-.Ltmp1, $4  }
0x26: {  	s17 =	smov.u32 s12;
	p0 =	por !p0, !p0;
	[sflag:s23] =	ssyncset.done @!p1 $0x0  }
0x27: {  	s10 =	smov.u32 s19;
	s20 =	smov.u32 @p3 s7;
	[sflag:s23] =	ssyncadd.s32 @!p1 $0xFFFFC000  }
0x28: {  	s11 =	smov.u32 s20;
	s21 =	simm.s32 @p4 $0x0;
	s15 =	smov.u32 s13  }
0x29: {  	s12 =	smov.u32 s21;
	s14 =	sadd.s32 $0x1, s14;
	s13 =	smov.u32 s22  }
.LBB1_1:
0x2a: {  	p1 =	sge.u32 s14, s6;
	s31 =	sadd.s32 $0xFFFFFFFF, s14  }
0x2b: {  	s19 =	sxor.u32 @!p1 $0xFFFFFFFF, s14;
	s20 =	sshll.u32 @!p1 s11, $0x9;
	s21 =	sshll.u32 @!p1 s10, $0x3  }
0x2c: {  	s22 =	sand.u32 @!p1 $0x78, s10;
	s20 =	sand.u32 @!p1 $0x3000, s20;
	s21 =	sand.u32 @!p1 $0x3C00, s21  }
0x2d: {  	s24 =	smul.u32 @!p1 $0x1800, s13;
	s20 =	sadd.s32 @!p1 s20, s21;
	s21 =	sshll.u32 @!p1 s11, $0x7  }
0x2e: {  	s19 =	sshll.u32 @!p1 s19, $0xE;
	s23 =	sand.u32 @!p1 $0x200, s21;
	s21 =	sand.u32 @!p1 $0x180, s21  }
0x2f: {  	s19 =	sand.u32 @!p1 $0x4000, s19;
	s20 =	sor.u32 @!p1 s23, s20;
	s21 =	sor.u32 @!p1 s22, s21  }
0x30: {  	s22 =	sshll.u32 @!p1 s12, $0xB;
	s23 =	sadd.s32 @!p1 s4, s24;
	s20 =	sshrl.u32 @!p1 s20, $0x3  }
0x31: {  	s21 =	sshrl.u32 @!p1 s21, $0x3;
	s22 =	sadd.s32 @!p1 s22, s23;
	s23 =	sand.u32 @!p1 $0x7, s10  }
0x32: {  	s20 =	sand.u32 @!p1 $0x7C0, s20;
	s21 =	sadd.s32 @!p1 s21, s22;
	s22 =	sshll.u32 @!p1 s23, $0x12  }
0x33: {  	s20 =	sadd.s32 @!p1 s20, s21;
	s21 =	sor.u32 @!p1 $0x80, s22;
	s22 =	simm.s32 @!p1 $0xC000  }
0x34: {  	[tilespmem:s19], [sflag:$0x1] =	stream.strided.gather @!p1 [hbm4b:s20+s21], $0x4000, s22, s21, $0x38;
	[tilespmem:$0x10100] =	vst v63  }
0x35: {  	p1 =	sge.u32 s31, s6  }
.Ltmp2:
0x36: {  	_ = 	snop;
	(pc) =	sbr.rel @p1 .LBB1_5-.Ltmp2, $1  }
0x37: {  	_ =	sdelay $0x3  }
0x38: {  	s19 =	simm.s32 $0x1  }
0x39: {  	_ =	swait.ge [sflag:s5], $0x4000;
	s19 =	simm.s32 @!p0 $0x0  }
0x3a: {  	[sflag:s5] =	ssyncset.done $0x0;
	s20 =	sshll.u32 s19, $0xE  }
0x3b: {  	[sflag:s5] =	ssyncadd.s32 $0xFFFFC000;
	s20 =	sor.u32 $0x40, s20  }
0x3c: {  	s19 =	smul.u32 $0x10200, s19;
	v0 =	vld [tilespmem:s20+$0x30]  }
0x3d: {  	v1 =	vld [tilespmem:s20+$0xFFFFFFD0]  }
0x3e: {  	s19 =	sshrl.u32 s19, $0x2;
	v5 =	vld [tilespmem:s20+$0xFFFFFFE0]  }
0x3f: {  	v6 =	vld [tilespmem:s20+$0xFFFFFFF0];
	s21 =	sor.u32 $0x8000, s19  }
0x40: {  	s31 =	sand.u32 $0x1, s14;
	v2 =	vld [tilespmem:s20+$0x0];
	s22 =	sadd.s32 $0x0, s21  }
0x41: {  	v3 =	vld [tilespmem:s20+$0x10];
	s19 =	smul.u32 $0x10200, s31;
	[tilespmem:s22+$0x3870 ss:$0x81] =	vst.msk $0xffff, v0  }
0x42: {  	v4 =	vld [tilespmem:s20+$0x20];
	[tilespmem:s22+$0x810 ss:$0x81] =	vst.msk $0xffff, v1  }
0x43: {  	s19 =	sshrl.u32 s19, $0x2;
	v0 =	vld [tilespmem:s20+$0xFFFFFFC0];
	[tilespmem:s22+$0x1020 ss:$0x81] =	vst.msk $0xffff, v5;
	s20 =	sadd.s32 $0x80, s20  }
0x44: {  	s23 =	simm.s32 $0x4;
	s24 =	simm.s32 $0x8;
	s19 =	sor.u32 $0x8000, s19;
	[tilespmem:s22+$0x1830 ss:$0x81] =	vst.msk $0xffff, v6;
	v1 =	vld [tilespmem:s20+$0x30]  }
.LBB1_3:
0x45: {  	p1 =	sne.s32 s24, $0x1FC;
	v5 =	vld [tilespmem:s20+$0xFFFFFFD0];
	[tilespmem:s22+$0x2040 ss:$0x81] =	vst.msk $0xffff, v2  }
0x46: {  	v6 =	vld [tilespmem:s20+$0xFFFFFFE0];
	[tilespmem:s22+$0x2850 ss:$0x81] =	vst.msk $0xffff, v3  }
0x47: {  	s25 =	sshra.s32 s23, $0x2;
	s23 =	smov.u32 s24;
	v7 =	vld [tilespmem:s20+$0xFFFFFFF0];
	[tilespmem:s22+$0x3060 ss:$0x81] =	vst.msk $0xffff, v4  }
.Ltmp3:
0x48: {  	v2 =	vld [tilespmem:s20+$0x0];
	[tilespmem:s22+$0x0 ss:$0x81] =	vst.msk $0xffff, v0;
	s22 =	sadd.s32 s25, s21;
	(pc) =	sbr.rel @p1 .LBB1_3-.Ltmp3, $4  }
0x49: {  	v3 =	vld [tilespmem:s20+$0x10];
	[tilespmem:s22+$0x3870 ss:$0x81] =	vst.msk $0xffff, v1  }
0x4a: {  	[tilespmem:s22+$0x810 ss:$0x81] =	vst.msk $0xffff, v5;
	v4 =	vld [tilespmem:s20+$0x20]  }
0x4b: {  	v0 =	vld [tilespmem:s20+$0xFFFFFFC0];
	[tilespmem:s22+$0x1020 ss:$0x81] =	vst.msk $0xffff, v6;
	s20 =	sadd.s32 $0x80, s20  }
0x4c: {  	s24 =	sadd.s32 $0x4, s24;
	v1 =	vld [tilespmem:s20+$0x30];
	[tilespmem:s22+$0x1830 ss:$0x81] =	vst.msk $0xffff, v7  }
.Ltmp4:
0x4d: {  	_ = 	snop;
	(pc) =	sbr.rel .LBB1_4-.Ltmp4, $1  }
0x4e: {  	_ =	sdelay $0x3  }
.LBB1_6:
0x4f: {  	_ =	sfence.sel $0x180000  }
0x50: {  	s2 =	simm.s32 $0x1;
	[bflag:$0x0] =	sbarrier.arrive $0xFFFF  }
0x51: {  	s31 =	simm.s32 $0x2;
	[sflag:s2] =	ssyncpa.u1 $0x1  }
0x52: {  	[sflag:s31] =	ssyncpa.u1 $0x1  }
0x53: {  	p0 =	sne.s32 s0, $0x0;
	_ =	strace $0x9000004A  }
0x54: {  	s0 =	sadd.s32 @!p0 $0x100000, s1;
	[bflag:$0x2] =	sbarrier.arrive $0xFFFF  }
0x55: {  	[sflag:s0] =	ssyncadd.tile.s32 @!p0 $0x1;
	_ =	shalt  }
.Lfunc_end1:
_tile_overlayer_lowered:
.L_overlay_start_2:
0x56: {  	(tag) =	ssettag $0x2  }
0x57: {  	s0 =	rddreg [dreg:$0x0];
	s2 =	stileid.u32  }
0x58: {  	s1 =	rddreg [dreg:$0x1];
	p0 =	sne.s32 s2, $0x0  }
0x59: {  	s3 =	rddreg [dreg:$0x2];
	[bflag:$0x3] =	sbarrier.arrive $0xFFFF;
	s2 =	simm.s32 @!p0 $0x1C01  }
0x5a: {  	[timem:s3], [sflag:s2] =	dma.local @!p0 [hbm:s0], s1  }
0x5b: {  	s0 =	simm.s32 @!p0 $0x1  }
0x5c: {  	_ =	swait.ge @!p0 [sflag:s0], s1  }
0x5d: {  	s1 =	ssub.s32 @!p0 $0x0, s1;
	[sflag:s0] =	ssyncset.done @!p0 $0x0  }
0x5e: {  	[sflag:s0] =	ssyncadd.s32 @!p0 s1  }
0x5f: {  	[bflag:$0x3] =	sbarrier.arrive $0xFFFF  }
0x60: {  	_ =	shalt  }

</sc_bundles>
